<compile_context>
chip_gen: v7x
topology: tpu7x:2x2x1
jax: 0.10.2.dev20260603
libtpu: 0.0.44.dev20260713+nightly
codegen_flags: <defaults>
</compile_context>

<pallas_src>
import functools

import jax
import jax.numpy as jnp
from jax import lax
from jax.experimental import pallas as pl
from jax.experimental.pallas import tpu as pltpu
from jax.experimental.pallas import tpu_sc as plsc

B = 16384
D = 128
LANES = 16
NC = 2
NS = 16
NW = NC * NS
BPW = B // NW
CHUNK = 128
NCH = BPW // CHUNK
EPV = D // LANES
NBUF = 3


def _sc_body(in3_hbm, ut_hbm, at_hbm, ub_hbm, ab_hbm,
             part_out, ub_out, ab_out,
             idx_v, u0, u1, u2, a0, a1, a2, ubv, abv, accv,
             sem0, sem1, sem2, semb):
    wid = lax.axis_index("s") * NC + lax.axis_index("c")
    pltpu.sync_copy(in3_hbm.at[pl.ds(NCH * wid, NCH)], idx_v)

    ubufs = (u0, u1, u2)
    abufs = (a0, a1, a2)
    sems = (sem0, sem1, sem2)

    def fire(ch):
        b = ch % NBUF
        return (pltpu.async_copy(ut_hbm.at[idx_v.at[ch, 0]], ubufs[b],
                                 sems[b]),
                pltpu.async_copy(at_hbm.at[idx_v.at[ch, 1]], abufs[b],
                                 sems[b]))

    pending = {ch: fire(ch) for ch in range(min(NBUF, NCH))}

    accs = tuple(jnp.zeros((LANES,), jnp.float32) for _ in range(EPV))
    bias_copies = []
    for ch in range(NCH):
        cu, ca = pending.pop(ch)
        cu.wait()
        ca.wait()
        ubuf = ubufs[ch % NBUF]
        abuf = abufs[ch % NBUF]

        def row_body(r, accs, ubuf=ubuf, abuf=abuf):
            return tuple(
                accs[e] + (ubuf[r, pl.ds(e * LANES, LANES)] *
                           abuf[r, pl.ds(e * LANES, LANES)])
                for e in range(EPV))

        accs = lax.fori_loop(0, CHUNK, row_body, accs)
        if ch + NBUF < NCH:
            pending[ch + NBUF] = fire(ch + NBUF)
        if ch == 0:
            for bch in range(NCH):
                bias_copies.append(pltpu.async_copy(
                    ub_hbm.at[idx_v.at[bch, 0]], ubv.at[bch], semb))
                bias_copies.append(pltpu.async_copy(
                    ab_hbm.at[idx_v.at[bch, 1]], abv.at[bch], semb))

    acc = accs[0]
    for e in range(1, EPV):
        acc = acc + accs[e]
    accv[...] = acc
    pltpu.sync_copy(accv, part_out.at[wid])
    for c in bias_copies:
        c.wait()
    pltpu.sync_copy(ubv, ub_out.at[wid])
    pltpu.sync_copy(abv, ab_out.at[wid])


_sc_call = functools.partial(
    pl.kernel,
    mesh=plsc.VectorSubcoreMesh(core_axis_name="c", subcore_axis_name="s"),
    out_type=[
        jax.ShapeDtypeStruct((NW, LANES), jnp.float32),
        jax.ShapeDtypeStruct((NW, NCH, CHUNK), jnp.float32),
        jax.ShapeDtypeStruct((NW, NCH, CHUNK), jnp.float32),
    ],
    scratch_types=[
        pltpu.VMEM((NCH, 2, CHUNK), jnp.int32),
        pltpu.VMEM((CHUNK, D), jnp.float32),
        pltpu.VMEM((CHUNK, D), jnp.float32),
        pltpu.VMEM((CHUNK, D), jnp.float32),
        pltpu.VMEM((CHUNK, D), jnp.float32),
        pltpu.VMEM((CHUNK, D), jnp.float32),
        pltpu.VMEM((CHUNK, D), jnp.float32),
        pltpu.VMEM((NCH, CHUNK), jnp.float32),
        pltpu.VMEM((NCH, CHUNK), jnp.float32),
        pltpu.VMEM((LANES,), jnp.float32),
        pltpu.SemaphoreType.DMA,
        pltpu.SemaphoreType.DMA,
        pltpu.SemaphoreType.DMA,
        pltpu.SemaphoreType.DMA,
    ],
)(_sc_body)


def _combine(part_ref, ub_ref, ab_ref, o_ref):
    s = jnp.sum(part_ref[...])
    o_ref[...] = jax.nn.sigmoid(ub_ref[...] + ab_ref[...] + s)


def kernel(inputs, uid_table, uid_bias_table, aid_table, aid_bias_table):
    idx = inputs.astype(jnp.int32)
    in3 = idx.T.reshape(2, B // CHUNK, CHUNK).transpose(1, 0, 2)
    ub1 = uid_bias_table.reshape(-1)
    ab1 = aid_bias_table.reshape(-1)

    part, ubg, abg = _sc_call(in3, uid_table, aid_table, ub1, ab1)
    out = pl.pallas_call(
        _combine,
        out_shape=jax.ShapeDtypeStruct((B // D, D), jnp.float32),
    )(part, ubg.reshape(B // D, D), abg.reshape(B // D, D))
    return out.reshape(B, 1)

# --- scband reference (transcript-rebuilt; emitter-appended) ---
"""Pipeline reference for scband-purchase-embedding-70196945486542 (READ-ONLY COPY).

The authoritative reference and input builder live on the scoring server;
editing this copy changes nothing except your own understanding.
"""

import jax, jax.numpy as jnp
import numpy as np

N_UID = 100000
N_AID = 100000
EMB = 128
BATCH = 16384

def setup_inputs(seed: int = 0) -> dict:
    key = jax.random.key(seed)
    k_idx, k_ue, k_ub, k_ae, k_ab = jax.random.split(key, 5)
    inputs = jax.random.randint(k_idx, (BATCH, 2), 0, N_UID, dtype=jnp.int64)
    # he_normal init: stddev = sqrt(2 / fan_in); Keras Embedding fan_in = num_embeddings
    uid_table = jax.random.normal(k_ue, (N_UID, EMB), dtype=jnp.float32) * np.sqrt(2.0 / N_UID)
    aid_table = jax.random.normal(k_ae, (N_AID, EMB), dtype=jnp.float32) * np.sqrt(2.0 / N_AID)
    # default Embedding init is uniform(-0.05, 0.05)
    uid_bias_table = jax.random.uniform(k_ub, (N_UID, 1), dtype=jnp.float32, minval=-0.05, maxval=0.05)
    aid_bias_table = jax.random.uniform(k_ab, (N_AID, 1), dtype=jnp.float32, minval=-0.05, maxval=0.05)
    return {
        "inputs": inputs,
        "uid_table": uid_table,
        "uid_bias_table": uid_bias_table,
        "aid_table": aid_table,
        "aid_bias_table": aid_bias_table,
    }

def reference(inputs, uid_table, uid_bias_table, aid_table, aid_bias_table):
    uid_idx = inputs[:, 0]
    aid_idx = inputs[:, 1]
    uid_vector = jnp.take(uid_table, uid_idx, axis=0)        # [B, EMB]
    uid_bias = jnp.take(uid_bias_table, uid_idx, axis=0)     # [B, 1]
    aid_vector = jnp.take(aid_table, aid_idx, axis=0)        # [B, EMB]
    aid_bias = jnp.take(aid_bias_table, aid_idx, axis=0)     # [B, 1]
    # tf.tensordot(a, b, 2) contracts over the last 2 axes of a and first 2 of b -> scalar
    dot_product = jnp.tensordot(uid_vector, aid_vector, 2)   # scalar
    x = dot_product + uid_bias + aid_bias                    # [B, 1] via broadcast
    return jax.nn.sigmoid(x)

if __name__ == "__main__":
    import jax
    _d = setup_inputs()
    print(jax.jit(kernel)(*tuple(_d.values())))

</pallas_src>

<mosaic_0001>
#map = affine_map<(d0, d1) -> (0, 0, 0)>
#map1 = affine_map<(d0, d1) -> (0, 0)>
#map2 = affine_map<(d0, d1) -> (0)>
module attributes {stable_mosaic.version = 14 : i64} {
  func.func @_sc_body(%arg0: i32, %arg1: i32, %arg2: memref<128x2x128xi32, #tpu.memory_space<hbm>>, %arg3: memref<100000x128xf32, #tpu.memory_space<hbm>>, %arg4: memref<100000x128xf32, #tpu.memory_space<hbm>>, %arg5: memref<100000xf32, #tpu.memory_space<hbm>>, %arg6: memref<100000xf32, #tpu.memory_space<hbm>>, %arg7: memref<32x16xf32, #tpu.memory_space<hbm>>, %arg8: memref<32x4x128xf32, #tpu.memory_space<hbm>>, %arg9: memref<32x4x128xf32, #tpu.memory_space<hbm>>, %arg10: memref<4x2x128xi32, #tpu.memory_space<vmem>>, %arg11: memref<128x128xf32, #tpu.memory_space<vmem>>, %arg12: memref<128x128xf32, #tpu.memory_space<vmem>>, %arg13: memref<128x128xf32, #tpu.memory_space<vmem>>, %arg14: memref<128x128xf32, #tpu.memory_space<vmem>>, %arg15: memref<128x128xf32, #tpu.memory_space<vmem>>, %arg16: memref<128x128xf32, #tpu.memory_space<vmem>>, %arg17: memref<4x128xf32, #tpu.memory_space<vmem>>, %arg18: memref<4x128xf32, #tpu.memory_space<vmem>>, %arg19: memref<16xf32, #tpu.memory_space<vmem>>, %arg20: memref<!tpu.dma_semaphore, #tpu.memory_space<semaphore_mem>>, %arg21: memref<!tpu.dma_semaphore, #tpu.memory_space<semaphore_mem>>, %arg22: memref<!tpu.dma_semaphore, #tpu.memory_space<semaphore_mem>>, %arg23: memref<!tpu.dma_semaphore, #tpu.memory_space<semaphore_mem>>) attributes {dimension_semantics = [#tpu.dimension_semantics<core_parallel>, #tpu.dimension_semantics<subcore_parallel>], iteration_bounds = array<i64: 2, 16>, scalar_prefetch = 0 : i64, scratch_operands = 14 : i64, tpu.core_type = #tpu.core_type<sc_vector_subcore>, window_params = [{transform_indices = #map}, {transform_indices = #map1}, {transform_indices = #map1}, {transform_indices = #map2}, {transform_indices = #map2}, {transform_indices = #map1}, {transform_indices = #map}, {transform_indices = #map}]} {
    %mul3A = arith.constant 2 : i32
    %mul3A_0 = arith.muli %arg1, %mul3A : i32
    %add3A = arith.addi %mul3A_0, %arg0 : i32
    %mul3A_1 = arith.constant 4 : i32
    %mul3A_2 = arith.muli %mul3A_1, %add3A : i32
    "tpu.region"() ({
      %run_scoped3A = tpu.sem_alloc : memref<!tpu.dma_semaphore, #tpu.memory_space<semaphore_mem>>
      %dma_start3A_353 = arith.constant 0 : i32
      %dma_start3A_354 = arith.constant 0 : i32
      %dma_start3A_355 = tpu.memref_slice %arg2[%mul3A_2, %dma_start3A_353, %dma_start3A_354] : memref<128x2x128xi32, #tpu.memory_space<hbm>> -> memref<4x2x128xi32, #tpu.memory_space<hbm>>
      %dma_start3A_356 = arith.constant 0 : i32
      %dma_start3A_357 = arith.constant 0 : i32
      %dma_start3A_358 = tpu.memref_slice %arg2[%mul3A_2, %dma_start3A_356, %dma_start3A_357] : memref<128x2x128xi32, #tpu.memory_space<hbm>> -> memref<4x2x128xi32, #tpu.memory_space<hbm>>
      tpu.enqueue_dma source(%dma_start3A_358 : memref<4x2x128xi32, #tpu.memory_space<hbm>>) target(%arg10 : memref<4x2x128xi32, #tpu.memory_space<vmem>>) target_semaphore(%run_scoped3A : memref<!tpu.dma_semaphore, #tpu.memory_space<semaphore_mem>>)
      %dma_wait3A_359 = arith.constant 0 : i32
      %dma_wait3A_360 = arith.constant 0 : i32
      %dma_wait3A_361 = tpu.memref_slice %arg2[%mul3A_2, %dma_wait3A_359, %dma_wait3A_360] : memref<128x2x128xi32, #tpu.memory_space<hbm>> -> memref<4x2x128xi32, #tpu.memory_space<hbm>>
      %dma_wait3A_362 = arith.constant 0 : i32
      %dma_wait3A_363 = arith.constant 0 : i32
      %dma_wait3A_364 = tpu.memref_slice %arg2[%mul3A_2, %dma_wait3A_362, %dma_wait3A_363] : memref<128x2x128xi32, #tpu.memory_space<hbm>> -> memref<4x2x128xi32, #tpu.memory_space<hbm>>
      tpu.wait_dma2 semaphore(%run_scoped3A : memref<!tpu.dma_semaphore, #tpu.memory_space<semaphore_mem>>) src(%dma_wait3A_364 : memref<4x2x128xi32, #tpu.memory_space<hbm>>) dst(%arg10 : memref<4x2x128xi32, #tpu.memory_space<vmem>>)
      tpu.yield
    }) : () -> ()
    %dma_start3A = arith.constant 0 : i32
    %dma_start3A_3 = arith.constant 0 : i32
    %dma_start3A_4 = arith.constant 0 : i32
    %dma_start3A_5 = tpu.memref_slice %arg10[%dma_start3A, %dma_start3A_3, %dma_start3A_4] : memref<4x2x128xi32, #tpu.memory_space<vmem>> -> memref<1x1x128xi32, #tpu.memory_space<vmem>>
    %dma_start3A_6 = tpu.memref_squeeze %dma_start3A_5 : memref<1x1x128xi32, #tpu.memory_space<vmem>> -> memref<128xi32, #tpu.memory_space<vmem>>
    %dma_start3A_7 = arith.constant 0 : i32
    %dma_start3A_8 = arith.constant 0 : i32
    %dma_start3A_9 = tpu.memref_slice %arg3[%dma_start3A_7, %dma_start3A_8] : memref<100000x128xf32, #tpu.memory_space<hbm>> -> memref<100000x128xf32, #tpu.memory_space<hbm>>
    tpu.enqueue_indirect_dma source(%dma_start3A_9 : memref<100000x128xf32, #tpu.memory_space<hbm>>) target(%arg11 : memref<128x128xf32, #tpu.memory_space<vmem>>) offsets(%dma_start3A_6 : memref<128xi32, #tpu.memory_space<vmem>>) semaphore(%arg20 : memref<!tpu.dma_semaphore, #tpu.memory_space<semaphore_mem>>)
    %dma_start3A_10 = arith.constant 0 : i32
    %dma_start3A_11 = arith.constant 1 : i32
    %dma_start3A_12 = arith.constant 0 : i32
    %dma_start3A_13 = tpu.memref_slice %arg10[%dma_start3A_10, %dma_start3A_11, %dma_start3A_12] : memref<4x2x128xi32, #tpu.memory_space<vmem>> -> memref<1x1x128xi32, #tpu.memory_space<vmem>>
    %dma_start3A_14 = tpu.memref_squeeze %dma_start3A_13 : memref<1x1x128xi32, #tpu.memory_space<vmem>> -> memref<128xi32, #tpu.memory_space<vmem>>
    %dma_start3A_15 = arith.constant 0 : i32
    %dma_start3A_16 = arith.constant 0 : i32
    %dma_start3A_17 = tpu.memref_slice %arg4[%dma_start3A_15, %dma_start3A_16] : memref<100000x128xf32, #tpu.memory_space<hbm>> -> memref<100000x128xf32, #tpu.memory_space<hbm>>
    tpu.enqueue_indirect_dma source(%dma_start3A_17 : memref<100000x128xf32, #tpu.memory_space<hbm>>) target(%arg14 : memref<128x128xf32, #tpu.memory_space<vmem>>) offsets(%dma_start3A_14 : memref<128xi32, #tpu.memory_space<vmem>>) semaphore(%arg20 : memref<!tpu.dma_semaphore, #tpu.memory_space<semaphore_mem>>)
    %dma_start3A_18 = arith.constant 1 : i32
    %dma_start3A_19 = arith.constant 0 : i32
    %dma_start3A_20 = arith.constant 0 : i32
    %dma_start3A_21 = tpu.memref_slice %arg10[%dma_start3A_18, %dma_start3A_19, %dma_start3A_20] : memref<4x2x128xi32, #tpu.memory_space<vmem>> -> memref<1x1x128xi32, #tpu.memory_space<vmem>>
    %dma_start3A_22 = tpu.memref_squeeze %dma_start3A_21 : memref<1x1x128xi32, #tpu.memory_space<vmem>> -> memref<128xi32, #tpu.memory_space<vmem>>
    %dma_start3A_23 = arith.constant 0 : i32
    %dma_start3A_24 = arith.constant 0 : i32
    %dma_start3A_25 = tpu.memref_slice %arg3[%dma_start3A_23, %dma_start3A_24] : memref<100000x128xf32, #tpu.memory_space<hbm>> -> memref<100000x128xf32, #tpu.memory_space<hbm>>
    tpu.enqueue_indirect_dma source(%dma_start3A_25 : memref<100000x128xf32, #tpu.memory_space<hbm>>) target(%arg12 : memref<128x128xf32, #tpu.memory_space<vmem>>) offsets(%dma_start3A_22 : memref<128xi32, #tpu.memory_space<vmem>>) semaphore(%arg21 : memref<!tpu.dma_semaphore, #tpu.memory_space<semaphore_mem>>)
    %dma_start3A_26 = arith.constant 1 : i32
    %dma_start3A_27 = arith.constant 1 : i32
    %dma_start3A_28 = arith.constant 0 : i32
    %dma_start3A_29 = tpu.memref_slice %arg10[%dma_start3A_26, %dma_start3A_27, %dma_start3A_28] : memref<4x2x128xi32, #tpu.memory_space<vmem>> -> memref<1x1x128xi32, #tpu.memory_space<vmem>>
    %dma_start3A_30 = tpu.memref_squeeze %dma_start3A_29 : memref<1x1x128xi32, #tpu.memory_space<vmem>> -> memref<128xi32, #tpu.memory_space<vmem>>
    %dma_start3A_31 = arith.constant 0 : i32
    %dma_start3A_32 = arith.constant 0 : i32
    %dma_start3A_33 = tpu.memref_slice %arg4[%dma_start3A_31, %dma_start3A_32] : memref<100000x128xf32, #tpu.memory_space<hbm>> -> memref<100000x128xf32, #tpu.memory_space<hbm>>
    tpu.enqueue_indirect_dma source(%dma_start3A_33 : memref<100000x128xf32, #tpu.memory_space<hbm>>) target(%arg15 : memref<128x128xf32, #tpu.memory_space<vmem>>) offsets(%dma_start3A_30 : memref<128xi32, #tpu.memory_space<vmem>>) semaphore(%arg21 : memref<!tpu.dma_semaphore, #tpu.memory_space<semaphore_mem>>)
    %dma_start3A_34 = arith.constant 2 : i32
    %dma_start3A_35 = arith.constant 0 : i32
    %dma_start3A_36 = arith.constant 0 : i32
    %dma_start3A_37 = tpu.memref_slice %arg10[%dma_start3A_34, %dma_start3A_35, %dma_start3A_36] : memref<4x2x128xi32, #tpu.memory_space<vmem>> -> memref<1x1x128xi32, #tpu.memory_space<vmem>>
    %dma_start3A_38 = tpu.memref_squeeze %dma_start3A_37 : memref<1x1x128xi32, #tpu.memory_space<vmem>> -> memref<128xi32, #tpu.memory_space<vmem>>
    %dma_start3A_39 = arith.constant 0 : i32
    %dma_start3A_40 = arith.constant 0 : i32
    %dma_start3A_41 = tpu.memref_slice %arg3[%dma_start3A_39, %dma_start3A_40] : memref<100000x128xf32, #tpu.memory_space<hbm>> -> memref<100000x128xf32, #tpu.memory_space<hbm>>
    tpu.enqueue_indirect_dma source(%dma_start3A_41 : memref<100000x128xf32, #tpu.memory_space<hbm>>) target(%arg13 : memref<128x128xf32, #tpu.memory_space<vmem>>) offsets(%dma_start3A_38 : memref<128xi32, #tpu.memory_space<vmem>>) semaphore(%arg22 : memref<!tpu.dma_semaphore, #tpu.memory_space<semaphore_mem>>)
    %dma_start3A_42 = arith.constant 2 : i32
    %dma_start3A_43 = arith.constant 1 : i32
    %dma_start3A_44 = arith.constant 0 : i32
    %dma_start3A_45 = tpu.memref_slice %arg10[%dma_start3A_42, %dma_start3A_43, %dma_start3A_44] : memref<4x2x128xi32, #tpu.memory_space<vmem>> -> memref<1x1x128xi32, #tpu.memory_space<vmem>>
    %dma_start3A_46 = tpu.memref_squeeze %dma_start3A_45 : memref<1x1x128xi32, #tpu.memory_space<vmem>> -> memref<128xi32, #tpu.memory_space<vmem>>
    %dma_start3A_47 = arith.constant 0 : i32
    %dma_start3A_48 = arith.constant 0 : i32
    %dma_start3A_49 = tpu.memref_slice %arg4[%dma_start3A_47, %dma_start3A_48] : memref<100000x128xf32, #tpu.memory_space<hbm>> -> memref<100000x128xf32, #tpu.memory_space<hbm>>
    tpu.enqueue_indirect_dma source(%dma_start3A_49 : memref<100000x128xf32, #tpu.memory_space<hbm>>) target(%arg16 : memref<128x128xf32, #tpu.memory_space<vmem>>) offsets(%dma_start3A_46 : memref<128xi32, #tpu.memory_space<vmem>>) semaphore(%arg22 : memref<!tpu.dma_semaphore, #tpu.memory_space<semaphore_mem>>)
    %broadcast_in_dim3A = arith.constant 0.000000e+00 : f32
    %broadcast_in_dim3A_50 = vector.broadcast %broadcast_in_dim3A : f32 to vector<16xf32>
    %broadcast_in_dim3A_51 = arith.constant 0.000000e+00 : f32
    %broadcast_in_dim3A_52 = vector.broadcast %broadcast_in_dim3A_51 : f32 to vector<16xf32>
    %broadcast_in_dim3A_53 = arith.constant 0.000000e+00 : f32
    %broadcast_in_dim3A_54 = vector.broadcast %broadcast_in_dim3A_53 : f32 to vector<16xf32>
    %broadcast_in_dim3A_55 = arith.constant 0.000000e+00 : f32
    %broadcast_in_dim3A_56 = vector.broadcast %broadcast_in_dim3A_55 : f32 to vector<16xf32>
    %broadcast_in_dim3A_57 = arith.constant 0.000000e+00 : f32
    %broadcast_in_dim3A_58 = vector.broadcast %broadcast_in_dim3A_57 : f32 to vector<16xf32>
    %broadcast_in_dim3A_59 = arith.constant 0.000000e+00 : f32
    %broadcast_in_dim3A_60 = vector.broadcast %broadcast_in_dim3A_59 : f32 to vector<16xf32>
    %broadcast_in_dim3A_61 = arith.constant 0.000000e+00 : f32
    %broadcast_in_dim3A_62 = vector.broadcast %broadcast_in_dim3A_61 : f32 to vector<16xf32>
    %broadcast_in_dim3A_63 = arith.constant 0.000000e+00 : f32
    %broadcast_in_dim3A_64 = vector.broadcast %broadcast_in_dim3A_63 : f32 to vector<16xf32>
    %dma_wait3A = arith.constant 0 : i32
    %dma_wait3A_65 = arith.constant 0 : i32
    %dma_wait3A_66 = arith.constant 0 : i32
    %dma_wait3A_67 = tpu.memref_slice %arg10[%dma_wait3A, %dma_wait3A_65, %dma_wait3A_66] : memref<4x2x128xi32, #tpu.memory_space<vmem>> -> memref<1x1x128xi32, #tpu.memory_space<vmem>>
    %dma_wait3A_68 = tpu.memref_squeeze %dma_wait3A_67 : memref<1x1x128xi32, #tpu.memory_space<vmem>> -> memref<128xi32, #tpu.memory_space<vmem>>
    %dma_wait3A_69 = arith.constant 0 : i32
    %dma_wait3A_70 = arith.constant 0 : i32
    %dma_wait3A_71 = tpu.memref_slice %arg3[%dma_wait3A_69, %dma_wait3A_70] : memref<100000x128xf32, #tpu.memory_space<hbm>> -> memref<100000x128xf32, #tpu.memory_space<hbm>>
    tpu.wait_indirect_dma semaphore(%arg20 : memref<!tpu.dma_semaphore, #tpu.memory_space<semaphore_mem>>) src(%dma_wait3A_71 : memref<100000x128xf32, #tpu.memory_space<hbm>>) dst(%arg11 : memref<128x128xf32, #tpu.memory_space<vmem>>)
    %dma_wait3A_72 = arith.constant 0 : i32
    %dma_wait3A_73 = arith.constant 1 : i32
    %dma_wait3A_74 = arith.constant 0 : i32
    %dma_wait3A_75 = tpu.memref_slice %arg10[%dma_wait3A_72, %dma_wait3A_73, %dma_wait3A_74] : memref<4x2x128xi32, #tpu.memory_space<vmem>> -> memref<1x1x128xi32, #tpu.memory_space<vmem>>
    %dma_wait3A_76 = tpu.memref_squeeze %dma_wait3A_75 : memref<1x1x128xi32, #tpu.memory_space<vmem>> -> memref<128xi32, #tpu.memory_space<vmem>>
    %dma_wait3A_77 = arith.constant 0 : i32
    %dma_wait3A_78 = arith.constant 0 : i32
    %dma_wait3A_79 = tpu.memref_slice %arg4[%dma_wait3A_77, %dma_wait3A_78] : memref<100000x128xf32, #tpu.memory_space<hbm>> -> memref<100000x128xf32, #tpu.memory_space<hbm>>
    tpu.wait_indirect_dma semaphore(%arg20 : memref<!tpu.dma_semaphore, #tpu.memory_space<semaphore_mem>>) src(%dma_wait3A_79 : memref<100000x128xf32, #tpu.memory_space<hbm>>) dst(%arg14 : memref<128x128xf32, #tpu.memory_space<vmem>>)
    %scan3A = arith.constant 0 : i32
    %scan3A_80 = arith.constant 128 : i32
    %scan3A_81 = arith.addi %scan3A, %scan3A_80 : i32
    %scan3A_82 = arith.constant 1 : i32
    %scan3A_83:8 = scf.for %scan3A_353 = %scan3A to %scan3A_81 step %scan3A_82 iter_args(%scan3A_354 = %broadcast_in_dim3A_50, %scan3A_355 = %broadcast_in_dim3A_52, %scan3A_356 = %broadcast_in_dim3A_54, %scan3A_357 = %broadcast_in_dim3A_56, %scan3A_358 = %broadcast_in_dim3A_58, %scan3A_359 = %broadcast_in_dim3A_60, %scan3A_360 = %broadcast_in_dim3A_62, %scan3A_361 = %broadcast_in_dim3A_64) -> (vector<16xf32>, vector<16xf32>, vector<16xf32>, vector<16xf32>, vector<16xf32>, vector<16xf32>, vector<16xf32>, vector<16xf32>)  : i32 {
      %get3A = arith.index_cast %scan3A_353 : i32 to index
      %get3A_362 = arith.constant 0 : index
      %get3A_363 = tpu.vector_load %arg11[%get3A, %get3A_362] {strides = array<i32>} : memref<128x128xf32, #tpu.memory_space<vmem>>, vector<1x16xf32>,
      %get3A_364 = vector.shape_cast %get3A_363 : vector<1x16xf32> to vector<16xf32>
      %get3A_365 = arith.index_cast %scan3A_353 : i32 to index
      %get3A_366 = arith.constant 0 : index
      %get3A_367 = tpu.vector_load %arg14[%get3A_365, %get3A_366] {strides = array<i32>} : memref<128x128xf32, #tpu.memory_space<vmem>>, vector<1x16xf32>,
      %get3A_368 = vector.shape_cast %get3A_367 : vector<1x16xf32> to vector<16xf32>
      %mul3A_369 = arith.mulf %get3A_364, %get3A_368 : vector<16xf32>
      %add3A_370 = arith.addf %scan3A_354, %mul3A_369 : vector<16xf32>
      %get3A_371 = arith.index_cast %scan3A_353 : i32 to index
      %get3A_372 = arith.constant 16 : index
      %get3A_373 = tpu.vector_load %arg11[%get3A_371, %get3A_372] {strides = array<i32>} : memref<128x128xf32, #tpu.memory_space<vmem>>, vector<1x16xf32>,
      %get3A_374 = vector.shape_cast %get3A_373 : vector<1x16xf32> to vector<16xf32>
      %get3A_375 = arith.index_cast %scan3A_353 : i32 to index
      %get3A_376 = arith.constant 16 : index
      %get3A_377 = tpu.vector_load %arg14[%get3A_375, %get3A_376] {strides = array<i32>} : memref<128x128xf32, #tpu.memory_space<vmem>>, vector<1x16xf32>,
      %get3A_378 = vector.shape_cast %get3A_377 : vector<1x16xf32> to vector<16xf32>
      %mul3A_379 = arith.mulf %get3A_374, %get3A_378 : vector<16xf32>
      %add3A_380 = arith.addf %scan3A_355, %mul3A_379 : vector<16xf32>
      %get3A_381 = arith.index_cast %scan3A_353 : i32 to index
      %get3A_382 = arith.constant 32 : index
      %get3A_383 = tpu.vector_load %arg11[%get3A_381, %get3A_382] {strides = array<i32>} : memref<128x128xf32, #tpu.memory_space<vmem>>, vector<1x16xf32>,
      %get3A_384 = vector.shape_cast %get3A_383 : vector<1x16xf32> to vector<16xf32>
      %get3A_385 = arith.index_cast %scan3A_353 : i32 to index
      %get3A_386 = arith.constant 32 : index
      %get3A_387 = tpu.vector_load %arg14[%get3A_385, %get3A_386] {strides = array<i32>} : memref<128x128xf32, #tpu.memory_space<vmem>>, vector<1x16xf32>,
      %get3A_388 = vector.shape_cast %get3A_387 : vector<1x16xf32> to vector<16xf32>
      %mul3A_389 = arith.mulf %get3A_384, %get3A_388 : vector<16xf32>
      %add3A_390 = arith.addf %scan3A_356, %mul3A_389 : vector<16xf32>
      %get3A_391 = arith.index_cast %scan3A_353 : i32 to index
      %get3A_392 = arith.constant 48 : index
      %get3A_393 = tpu.vector_load %arg11[%get3A_391, %get3A_392] {strides = array<i32>} : memref<128x128xf32, #tpu.memory_space<vmem>>, vector<1x16xf32>,
      %get3A_394 = vector.shape_cast %get3A_393 : vector<1x16xf32> to vector<16xf32>
      %get3A_395 = arith.index_cast %scan3A_353 : i32 to index
      %get3A_396 = arith.constant 48 : index
      %get3A_397 = tpu.vector_load %arg14[%get3A_395, %get3A_396] {strides = array<i32>} : memref<128x128xf32, #tpu.memory_space<vmem>>, vector<1x16xf32>,
      %get3A_398 = vector.shape_cast %get3A_397 : vector<1x16xf32> to vector<16xf32>
      %mul3A_399 = arith.mulf %get3A_394, %get3A_398 : vector<16xf32>
      %add3A_400 = arith.addf %scan3A_357, %mul3A_399 : vector<16xf32>
      %get3A_401 = arith.index_cast %scan3A_353 : i32 to index
      %get3A_402 = arith.constant 64 : index
      %get3A_403 = tpu.vector_load %arg11[%get3A_401, %get3A_402] {strides = array<i32>} : memref<128x128xf32, #tpu.memory_space<vmem>>, vector<1x16xf32>,
      %get3A_404 = vector.shape_cast %get3A_403 : vector<1x16xf32> to vector<16xf32>
      %get3A_405 = arith.index_cast %scan3A_353 : i32 to index
      %get3A_406 = arith.constant 64 : index
      %get3A_407 = tpu.vector_load %arg14[%get3A_405, %get3A_406] {strides = array<i32>} : memref<128x128xf32, #tpu.memory_space<vmem>>, vector<1x16xf32>,
      %get3A_408 = vector.shape_cast %get3A_407 : vector<1x16xf32> to vector<16xf32>
      %mul3A_409 = arith.mulf %get3A_404, %get3A_408 : vector<16xf32>
      %add3A_410 = arith.addf %scan3A_358, %mul3A_409 : vector<16xf32>
      %get3A_411 = arith.index_cast %scan3A_353 : i32 to index
      %get3A_412 = arith.constant 80 : index
      %get3A_413 = tpu.vector_load %arg11[%get3A_411, %get3A_412] {strides = array<i32>} : memref<128x128xf32, #tpu.memory_space<vmem>>, vector<1x16xf32>,
      %get3A_414 = vector.shape_cast %get3A_413 : vector<1x16xf32> to vector<16xf32>
      %get3A_415 = arith.index_cast %scan3A_353 : i32 to index
      %get3A_416 = arith.constant 80 : index
      %get3A_417 = tpu.vector_load %arg14[%get3A_415, %get3A_416] {strides = array<i32>} : memref<128x128xf32, #tpu.memory_space<vmem>>, vector<1x16xf32>,
      %get3A_418 = vector.shape_cast %get3A_417 : vector<1x16xf32> to vector<16xf32>
      %mul3A_419 = arith.mulf %get3A_414, %get3A_418 : vector<16xf32>
      %add3A_420 = arith.addf %scan3A_359, %mul3A_419 : vector<16xf32>
      %get3A_421 = arith.index_cast %scan3A_353 : i32 to index
      %get3A_422 = arith.constant 96 : index
      %get3A_423 = tpu.vector_load %arg11[%get3A_421, %get3A_422] {strides = array<i32>} : memref<128x128xf32, #tpu.memory_space<vmem>>, vector<1x16xf32>,
      %get3A_424 = vector.shape_cast %get3A_423 : vector<1x16xf32> to vector<16xf32>
      %get3A_425 = arith.index_cast %scan3A_353 : i32 to index
      %get3A_426 = arith.constant 96 : index
      %get3A_427 = tpu.vector_load %arg14[%get3A_425, %get3A_426] {strides = array<i32>} : memref<128x128xf32, #tpu.memory_space<vmem>>, vector<1x16xf32>,
      %get3A_428 = vector.shape_cast %get3A_427 : vector<1x16xf32> to vector<16xf32>
      %mul3A_429 = arith.mulf %get3A_424, %get3A_428 : vector<16xf32>
      %add3A_430 = arith.addf %scan3A_360, %mul3A_429 : vector<16xf32>
      %get3A_431 = arith.index_cast %scan3A_353 : i32 to index
      %get3A_432 = arith.constant 112 : index
      %get3A_433 = tpu.vector_load %arg11[%get3A_431, %get3A_432] {strides = array<i32>} : memref<128x128xf32, #tpu.memory_space<vmem>>, vector<1x16xf32>,
      %get3A_434 = vector.shape_cast %get3A_433 : vector<1x16xf32> to vector<16xf32>
      %get3A_435 = arith.index_cast %scan3A_353 : i32 to index
      %get3A_436 = arith.constant 112 : index
      %get3A_437 = tpu.vector_load %arg14[%get3A_435, %get3A_436] {strides = array<i32>} : memref<128x128xf32, #tpu.memory_space<vmem>>, vector<1x16xf32>,
      %get3A_438 = vector.shape_cast %get3A_437 : vector<1x16xf32> to vector<16xf32>
      %mul3A_439 = arith.mulf %get3A_434, %get3A_438 : vector<16xf32>
      %add3A_440 = arith.addf %scan3A_361, %mul3A_439 : vector<16xf32>
      scf.yield %add3A_370, %add3A_380, %add3A_390, %add3A_400, %add3A_410, %add3A_420, %add3A_430, %add3A_440 : vector<16xf32>, vector<16xf32>, vector<16xf32>, vector<16xf32>, vector<16xf32>, vector<16xf32>, vector<16xf32>, vector<16xf32>
    }
    %scan3A_84 = arith.constant 128 : i32
    %dma_start3A_85 = arith.constant 3 : i32
    %dma_start3A_86 = arith.constant 0 : i32
    %dma_start3A_87 = arith.constant 0 : i32
    %dma_start3A_88 = tpu.memref_slice %arg10[%dma_start3A_85, %dma_start3A_86, %dma_start3A_87] : memref<4x2x128xi32, #tpu.memory_space<vmem>> -> memref<1x1x128xi32, #tpu.memory_space<vmem>>
    %dma_start3A_89 = tpu.memref_squeeze %dma_start3A_88 : memref<1x1x128xi32, #tpu.memory_space<vmem>> -> memref<128xi32, #tpu.memory_space<vmem>>
    %dma_start3A_90 = arith.constant 0 : i32
    %dma_start3A_91 = arith.constant 0 : i32
    %dma_start3A_92 = tpu.memref_slice %arg3[%dma_start3A_90, %dma_start3A_91] : memref<100000x128xf32, #tpu.memory_space<hbm>> -> memref<100000x128xf32, #tpu.memory_space<hbm>>
    tpu.enqueue_indirect_dma source(%dma_start3A_92 : memref<100000x128xf32, #tpu.memory_space<hbm>>) target(%arg11 : memref<128x128xf32, #tpu.memory_space<vmem>>) offsets(%dma_start3A_89 : memref<128xi32, #tpu.memory_space<vmem>>) semaphore(%arg20 : memref<!tpu.dma_semaphore, #tpu.memory_space<semaphore_mem>>)
    %dma_start3A_93 = arith.constant 3 : i32
    %dma_start3A_94 = arith.constant 1 : i32
    %dma_start3A_95 = arith.constant 0 : i32
    %dma_start3A_96 = tpu.memref_slice %arg10[%dma_start3A_93, %dma_start3A_94, %dma_start3A_95] : memref<4x2x128xi32, #tpu.memory_space<vmem>> -> memref<1x1x128xi32, #tpu.memory_space<vmem>>
    %dma_start3A_97 = tpu.memref_squeeze %dma_start3A_96 : memref<1x1x128xi32, #tpu.memory_space<vmem>> -> memref<128xi32, #tpu.memory_space<vmem>>
    %dma_start3A_98 = arith.constant 0 : i32
    %dma_start3A_99 = arith.constant 0 : i32
    %dma_start3A_100 = tpu.memref_slice %arg4[%dma_start3A_98, %dma_start3A_99] : memref<100000x128xf32, #tpu.memory_space<hbm>> -> memref<100000x128xf32, #tpu.memory_space<hbm>>
    tpu.enqueue_indirect_dma source(%dma_start3A_100 : memref<100000x128xf32, #tpu.memory_space<hbm>>) target(%arg14 : memref<128x128xf32, #tpu.memory_space<vmem>>) offsets(%dma_start3A_97 : memref<128xi32, #tpu.memory_space<vmem>>) semaphore(%arg20 : memref<!tpu.dma_semaphore, #tpu.memory_space<semaphore_mem>>)
    %dma_start3A_101 = arith.constant 0 : i32
    %dma_start3A_102 = arith.constant 0 : i32
    %dma_start3A_103 = arith.constant 0 : i32
    %dma_start3A_104 = arith.constant 0 : i32
    %dma_start3A_105 = tpu.memref_slice %arg17[%dma_start3A_103, %dma_start3A_104] : memref<4x128xf32, #tpu.memory_space<vmem>> -> memref<1x128xf32, #tpu.memory_space<vmem>>
    %dma_start3A_106 = tpu.memref_squeeze %dma_start3A_105 : memref<1x128xf32, #tpu.memory_space<vmem>> -> memref<128xf32, #tpu.memory_space<vmem>>
    %dma_start3A_107 = arith.constant 0 : i32
    %dma_start3A_108 = tpu.memref_slice %arg10[%dma_start3A_101, %dma_start3A_102, %dma_start3A_107] : memref<4x2x128xi32, #tpu.memory_space<vmem>> -> memref<1x1x128xi32, #tpu.memory_space<vmem>>
    %dma_start3A_109 = tpu.memref_squeeze %dma_start3A_108 : memref<1x1x128xi32, #tpu.memory_space<vmem>> -> memref<128xi32, #tpu.memory_space<vmem>>
    %dma_start3A_110 = arith.constant 0 : i32
    %dma_start3A_111 = tpu.memref_slice %arg5[%dma_start3A_110] : memref<100000xf32, #tpu.memory_space<hbm>> -> memref<100000xf32, #tpu.memory_space<hbm>>
    tpu.enqueue_indirect_dma source(%dma_start3A_111 : memref<100000xf32, #tpu.memory_space<hbm>>) target(%dma_start3A_106 : memref<128xf32, #tpu.memory_space<vmem>>) offsets(%dma_start3A_109 : memref<128xi32, #tpu.memory_space<vmem>>) semaphore(%arg23 : memref<!tpu.dma_semaphore, #tpu.memory_space<semaphore_mem>>)
    %dma_start3A_112 = arith.constant 0 : i32
    %dma_start3A_113 = arith.constant 1 : i32
    %dma_start3A_114 = arith.constant 0 : i32
    %dma_start3A_115 = arith.constant 0 : i32
    %dma_start3A_116 = tpu.memref_slice %arg18[%dma_start3A_114, %dma_start3A_115] : memref<4x128xf32, #tpu.memory_space<vmem>> -> memref<1x128xf32, #tpu.memory_space<vmem>>
    %dma_start3A_117 = tpu.memref_squeeze %dma_start3A_116 : memref<1x128xf32, #tpu.memory_space<vmem>> -> memref<128xf32, #tpu.memory_space<vmem>>
    %dma_start3A_118 = arith.constant 0 : i32
    %dma_start3A_119 = tpu.memref_slice %arg10[%dma_start3A_112, %dma_start3A_113, %dma_start3A_118] : memref<4x2x128xi32, #tpu.memory_space<vmem>> -> memref<1x1x128xi32, #tpu.memory_space<vmem>>
    %dma_start3A_120 = tpu.memref_squeeze %dma_start3A_119 : memref<1x1x128xi32, #tpu.memory_space<vmem>> -> memref<128xi32, #tpu.memory_space<vmem>>
    %dma_start3A_121 = arith.constant 0 : i32
    %dma_start3A_122 = tpu.memref_slice %arg6[%dma_start3A_121] : memref<100000xf32, #tpu.memory_space<hbm>> -> memref<100000xf32, #tpu.memory_space<hbm>>
    tpu.enqueue_indirect_dma source(%dma_start3A_122 : memref<100000xf32, #tpu.memory_space<hbm>>) target(%dma_start3A_117 : memref<128xf32, #tpu.memory_space<vmem>>) offsets(%dma_start3A_120 : memref<128xi32, #tpu.memory_space<vmem>>) semaphore(%arg23 : memref<!tpu.dma_semaphore, #tpu.memory_space<semaphore_mem>>)
    %dma_start3A_123 = arith.constant 1 : i32
    %dma_start3A_124 = arith.constant 0 : i32
    %dma_start3A_125 = arith.constant 1 : i32
    %dma_start3A_126 = arith.constant 0 : i32
    %dma_start3A_127 = tpu.memref_slice %arg17[%dma_start3A_125, %dma_start3A_126] : memref<4x128xf32, #tpu.memory_space<vmem>> -> memref<1x128xf32, #tpu.memory_space<vmem>>
    %dma_start3A_128 = tpu.memref_squeeze %dma_start3A_127 : memref<1x128xf32, #tpu.memory_space<vmem>> -> memref<128xf32, #tpu.memory_space<vmem>>
    %dma_start3A_129 = arith.constant 0 : i32
    %dma_start3A_130 = tpu.memref_slice %arg10[%dma_start3A_123, %dma_start3A_124, %dma_start3A_129] : memref<4x2x128xi32, #tpu.memory_space<vmem>> -> memref<1x1x128xi32, #tpu.memory_space<vmem>>
    %dma_start3A_131 = tpu.memref_squeeze %dma_start3A_130 : memref<1x1x128xi32, #tpu.memory_space<vmem>> -> memref<128xi32, #tpu.memory_space<vmem>>
    %dma_start3A_132 = arith.constant 0 : i32
    %dma_start3A_133 = tpu.memref_slice %arg5[%dma_start3A_132] : memref<100000xf32, #tpu.memory_space<hbm>> -> memref<100000xf32, #tpu.memory_space<hbm>>
    tpu.enqueue_indirect_dma source(%dma_start3A_133 : memref<100000xf32, #tpu.memory_space<hbm>>) target(%dma_start3A_128 : memref<128xf32, #tpu.memory_space<vmem>>) offsets(%dma_start3A_131 : memref<128xi32, #tpu.memory_space<vmem>>) semaphore(%arg23 : memref<!tpu.dma_semaphore, #tpu.memory_space<semaphore_mem>>)
    %dma_start3A_134 = arith.constant 1 : i32
    %dma_start3A_135 = arith.constant 1 : i32
    %dma_start3A_136 = arith.constant 1 : i32
    %dma_start3A_137 = arith.constant 0 : i32
    %dma_start3A_138 = tpu.memref_slice %arg18[%dma_start3A_136, %dma_start3A_137] : memref<4x128xf32, #tpu.memory_space<vmem>> -> memref<1x128xf32, #tpu.memory_space<vmem>>
    %dma_start3A_139 = tpu.memref_squeeze %dma_start3A_138 : memref<1x128xf32, #tpu.memory_space<vmem>> -> memref<128xf32, #tpu.memory_space<vmem>>
    %dma_start3A_140 = arith.constant 0 : i32
    %dma_start3A_141 = tpu.memref_slice %arg10[%dma_start3A_134, %dma_start3A_135, %dma_start3A_140] : memref<4x2x128xi32, #tpu.memory_space<vmem>> -> memref<1x1x128xi32, #tpu.memory_space<vmem>>
    %dma_start3A_142 = tpu.memref_squeeze %dma_start3A_141 : memref<1x1x128xi32, #tpu.memory_space<vmem>> -> memref<128xi32, #tpu.memory_space<vmem>>
    %dma_start3A_143 = arith.constant 0 : i32
    %dma_start3A_144 = tpu.memref_slice %arg6[%dma_start3A_143] : memref<100000xf32, #tpu.memory_space<hbm>> -> memref<100000xf32, #tpu.memory_space<hbm>>
    tpu.enqueue_indirect_dma source(%dma_start3A_144 : memref<100000xf32, #tpu.memory_space<hbm>>) target(%dma_start3A_139 : memref<128xf32, #tpu.memory_space<vmem>>) offsets(%dma_start3A_142 : memref<128xi32, #tpu.memory_space<vmem>>) semaphore(%arg23 : memref<!tpu.dma_semaphore, #tpu.memory_space<semaphore_mem>>)
    %dma_start3A_145 = arith.constant 2 : i32
    %dma_start3A_146 = arith.constant 0 : i32
    %dma_start3A_147 = arith.constant 2 : i32
    %dma_start3A_148 = arith.constant 0 : i32
    %dma_start3A_149 = tpu.memref_slice %arg17[%dma_start3A_147, %dma_start3A_148] : memref<4x128xf32, #tpu.memory_space<vmem>> -> memref<1x128xf32, #tpu.memory_space<vmem>>
    %dma_start3A_150 = tpu.memref_squeeze %dma_start3A_149 : memref<1x128xf32, #tpu.memory_space<vmem>> -> memref<128xf32, #tpu.memory_space<vmem>>
    %dma_start3A_151 = arith.constant 0 : i32
    %dma_start3A_152 = tpu.memref_slice %arg10[%dma_start3A_145, %dma_start3A_146, %dma_start3A_151] : memref<4x2x128xi32, #tpu.memory_space<vmem>> -> memref<1x1x128xi32, #tpu.memory_space<vmem>>
    %dma_start3A_153 = tpu.memref_squeeze %dma_start3A_152 : memref<1x1x128xi32, #tpu.memory_space<vmem>> -> memref<128xi32, #tpu.memory_space<vmem>>
    %dma_start3A_154 = arith.constant 0 : i32
    %dma_start3A_155 = tpu.memref_slice %arg5[%dma_start3A_154] : memref<100000xf32, #tpu.memory_space<hbm>> -> memref<100000xf32, #tpu.memory_space<hbm>>
    tpu.enqueue_indirect_dma source(%dma_start3A_155 : memref<100000xf32, #tpu.memory_space<hbm>>) target(%dma_start3A_150 : memref<128xf32, #tpu.memory_space<vmem>>) offsets(%dma_start3A_153 : memref<128xi32, #tpu.memory_space<vmem>>) semaphore(%arg23 : memref<!tpu.dma_semaphore, #tpu.memory_space<semaphore_mem>>)
    %dma_start3A_156 = arith.constant 2 : i32
    %dma_start3A_157 = arith.constant 1 : i32
    %dma_start3A_158 = arith.constant 2 : i32
    %dma_start3A_159 = arith.constant 0 : i32
    %dma_start3A_160 = tpu.memref_slice %arg18[%dma_start3A_158, %dma_start3A_159] : memref<4x128xf32, #tpu.memory_space<vmem>> -> memref<1x128xf32, #tpu.memory_space<vmem>>
    %dma_start3A_161 = tpu.memref_squeeze %dma_start3A_160 : memref<1x128xf32, #tpu.memory_space<vmem>> -> memref<128xf32, #tpu.memory_space<vmem>>
    %dma_start3A_162 = arith.constant 0 : i32
    %dma_start3A_163 = tpu.memref_slice %arg10[%dma_start3A_156, %dma_start3A_157, %dma_start3A_162] : memref<4x2x128xi32, #tpu.memory_space<vmem>> -> memref<1x1x128xi32, #tpu.memory_space<vmem>>
    %dma_start3A_164 = tpu.memref_squeeze %dma_start3A_163 : memref<1x1x128xi32, #tpu.memory_space<vmem>> -> memref<128xi32, #tpu.memory_space<vmem>>
    %dma_start3A_165 = arith.constant 0 : i32
    %dma_start3A_166 = tpu.memref_slice %arg6[%dma_start3A_165] : memref<100000xf32, #tpu.memory_space<hbm>> -> memref<100000xf32, #tpu.memory_space<hbm>>
    tpu.enqueue_indirect_dma source(%dma_start3A_166 : memref<100000xf32, #tpu.memory_space<hbm>>) target(%dma_start3A_161 : memref<128xf32, #tpu.memory_space<vmem>>) offsets(%dma_start3A_164 : memref<128xi32, #tpu.memory_space<vmem>>) semaphore(%arg23 : memref<!tpu.dma_semaphore, #tpu.memory_space<semaphore_mem>>)
    %dma_start3A_167 = arith.constant 3 : i32
    %dma_start3A_168 = arith.constant 0 : i32
    %dma_start3A_169 = arith.constant 3 : i32
    %dma_start3A_170 = arith.constant 0 : i32
    %dma_start3A_171 = tpu.memref_slice %arg17[%dma_start3A_169, %dma_start3A_170] : memref<4x128xf32, #tpu.memory_space<vmem>> -> memref<1x128xf32, #tpu.memory_space<vmem>>
    %dma_start3A_172 = tpu.memref_squeeze %dma_start3A_171 : memref<1x128xf32, #tpu.memory_space<vmem>> -> memref<128xf32, #tpu.memory_space<vmem>>
    %dma_start3A_173 = arith.constant 0 : i32
    %dma_start3A_174 = tpu.memref_slice %arg10[%dma_start3A_167, %dma_start3A_168, %dma_start3A_173] : memref<4x2x128xi32, #tpu.memory_space<vmem>> -> memref<1x1x128xi32, #tpu.memory_space<vmem>>
    %dma_start3A_175 = tpu.memref_squeeze %dma_start3A_174 : memref<1x1x128xi32, #tpu.memory_space<vmem>> -> memref<128xi32, #tpu.memory_space<vmem>>
    %dma_start3A_176 = arith.constant 0 : i32
    %dma_start3A_177 = tpu.memref_slice %arg5[%dma_start3A_176] : memref<100000xf32, #tpu.memory_space<hbm>> -> memref<100000xf32, #tpu.memory_space<hbm>>
    tpu.enqueue_indirect_dma source(%dma_start3A_177 : memref<100000xf32, #tpu.memory_space<hbm>>) target(%dma_start3A_172 : memref<128xf32, #tpu.memory_space<vmem>>) offsets(%dma_start3A_175 : memref<128xi32, #tpu.memory_space<vmem>>) semaphore(%arg23 : memref<!tpu.dma_semaphore, #tpu.memory_space<semaphore_mem>>)
    %dma_start3A_178 = arith.constant 3 : i32
    %dma_start3A_179 = arith.constant 1 : i32
    %dma_start3A_180 = arith.constant 3 : i32
    %dma_start3A_181 = arith.constant 0 : i32
    %dma_start3A_182 = tpu.memref_slice %arg18[%dma_start3A_180, %dma_start3A_181] : memref<4x128xf32, #tpu.memory_space<vmem>> -> memref<1x128xf32, #tpu.memory_space<vmem>>
    %dma_start3A_183 = tpu.memref_squeeze %dma_start3A_182 : memref<1x128xf32, #tpu.memory_space<vmem>> -> memref<128xf32, #tpu.memory_space<vmem>>
    %dma_start3A_184 = arith.constant 0 : i32
    %dma_start3A_185 = tpu.memref_slice %arg10[%dma_start3A_178, %dma_start3A_179, %dma_start3A_184] : memref<4x2x128xi32, #tpu.memory_space<vmem>> -> memref<1x1x128xi32, #tpu.memory_space<vmem>>
    %dma_start3A_186 = tpu.memref_squeeze %dma_start3A_185 : memref<1x1x128xi32, #tpu.memory_space<vmem>> -> memref<128xi32, #tpu.memory_space<vmem>>
    %dma_start3A_187 = arith.constant 0 : i32
    %dma_start3A_188 = tpu.memref_slice %arg6[%dma_start3A_187] : memref<100000xf32, #tpu.memory_space<hbm>> -> memref<100000xf32, #tpu.memory_space<hbm>>
    tpu.enqueue_indirect_dma source(%dma_start3A_188 : memref<100000xf32, #tpu.memory_space<hbm>>) target(%dma_start3A_183 : memref<128xf32, #tpu.memory_space<vmem>>) offsets(%dma_start3A_186 : memref<128xi32, #tpu.memory_space<vmem>>) semaphore(%arg23 : memref<!tpu.dma_semaphore, #tpu.memory_space<semaphore_mem>>)
    %dma_wait3A_189 = arith.constant 1 : i32
    %dma_wait3A_190 = arith.constant 0 : i32
    %dma_wait3A_191 = arith.constant 0 : i32
    %dma_wait3A_192 = tpu.memref_slice %arg10[%dma_wait3A_189, %dma_wait3A_190, %dma_wait3A_191] : memref<4x2x128xi32, #tpu.memory_space<vmem>> -> memref<1x1x128xi32, #tpu.memory_space<vmem>>
    %dma_wait3A_193 = tpu.memref_squeeze %dma_wait3A_192 : memref<1x1x128xi32, #tpu.memory_space<vmem>> -> memref<128xi32, #tpu.memory_space<vmem>>
    %dma_wait3A_194 = arith.constant 0 : i32
    %dma_wait3A_195 = arith.constant 0 : i32
    %dma_wait3A_196 = tpu.memref_slice %arg3[%dma_wait3A_194, %dma_wait3A_195] : memref<100000x128xf32, #tpu.memory_space<hbm>> -> memref<100000x128xf32, #tpu.memory_space<hbm>>
    tpu.wait_indirect_dma semaphore(%arg21 : memref<!tpu.dma_semaphore, #tpu.memory_space<semaphore_mem>>) src(%dma_wait3A_196 : memref<100000x128xf32, #tpu.memory_space<hbm>>) dst(%arg12 : memref<128x128xf32, #tpu.memory_space<vmem>>)
    %dma_wait3A_197 = arith.constant 1 : i32
    %dma_wait3A_198 = arith.constant 1 : i32
    %dma_wait3A_199 = arith.constant 0 : i32
    %dma_wait3A_200 = tpu.memref_slice %arg10[%dma_wait3A_197, %dma_wait3A_198, %dma_wait3A_199] : memref<4x2x128xi32, #tpu.memory_space<vmem>> -> memref<1x1x128xi32, #tpu.memory_space<vmem>>
    %dma_wait3A_201 = tpu.memref_squeeze %dma_wait3A_200 : memref<1x1x128xi32, #tpu.memory_space<vmem>> -> memref<128xi32, #tpu.memory_space<vmem>>
    %dma_wait3A_202 = arith.constant 0 : i32
    %dma_wait3A_203 = arith.constant 0 : i32
    %dma_wait3A_204 = tpu.memref_slice %arg4[%dma_wait3A_202, %dma_wait3A_203] : memref<100000x128xf32, #tpu.memory_space<hbm>> -> memref<100000x128xf32, #tpu.memory_space<hbm>>
    tpu.wait_indirect_dma semaphore(%arg21 : memref<!tpu.dma_semaphore, #tpu.memory_space<semaphore_mem>>) src(%dma_wait3A_204 : memref<100000x128xf32, #tpu.memory_space<hbm>>) dst(%arg15 : memref<128x128xf32, #tpu.memory_space<vmem>>)
    %scan3A_205 = arith.constant 0 : i32
    %scan3A_206 = arith.constant 128 : i32
    %scan3A_207 = arith.addi %scan3A_205, %scan3A_206 : i32
    %scan3A_208 = arith.constant 1 : i32
    %scan3A_209:8 = scf.for %scan3A_353 = %scan3A_205 to %scan3A_207 step %scan3A_208 iter_args(%scan3A_354 = %scan3A_83#0, %scan3A_355 = %scan3A_83#1, %scan3A_356 = %scan3A_83#2, %scan3A_357 = %scan3A_83#3, %scan3A_358 = %scan3A_83#4, %scan3A_359 = %scan3A_83#5, %scan3A_360 = %scan3A_83#6, %scan3A_361 = %scan3A_83#7) -> (vector<16xf32>, vector<16xf32>, vector<16xf32>, vector<16xf32>, vector<16xf32>, vector<16xf32>, vector<16xf32>, vector<16xf32>)  : i32 {
      %get3A = arith.index_cast %scan3A_353 : i32 to index
      %get3A_362 = arith.constant 0 : index
      %get3A_363 = tpu.vector_load %arg12[%get3A, %get3A_362] {strides = array<i32>} : memref<128x128xf32, #tpu.memory_space<vmem>>, vector<1x16xf32>,
      %get3A_364 = vector.shape_cast %get3A_363 : vector<1x16xf32> to vector<16xf32>
      %get3A_365 = arith.index_cast %scan3A_353 : i32 to index
      %get3A_366 = arith.constant 0 : index
      %get3A_367 = tpu.vector_load %arg15[%get3A_365, %get3A_366] {strides = array<i32>} : memref<128x128xf32, #tpu.memory_space<vmem>>, vector<1x16xf32>,
      %get3A_368 = vector.shape_cast %get3A_367 : vector<1x16xf32> to vector<16xf32>
      %mul3A_369 = arith.mulf %get3A_364, %get3A_368 : vector<16xf32>
      %add3A_370 = arith.addf %scan3A_354, %mul3A_369 : vector<16xf32>
      %get3A_371 = arith.index_cast %scan3A_353 : i32 to index
      %get3A_372 = arith.constant 16 : index
      %get3A_373 = tpu.vector_load %arg12[%get3A_371, %get3A_372] {strides = array<i32>} : memref<128x128xf32, #tpu.memory_space<vmem>>, vector<1x16xf32>,
      %get3A_374 = vector.shape_cast %get3A_373 : vector<1x16xf32> to vector<16xf32>
      %get3A_375 = arith.index_cast %scan3A_353 : i32 to index
      %get3A_376 = arith.constant 16 : index
      %get3A_377 = tpu.vector_load %arg15[%get3A_375, %get3A_376] {strides = array<i32>} : memref<128x128xf32, #tpu.memory_space<vmem>>, vector<1x16xf32>,
      %get3A_378 = vector.shape_cast %get3A_377 : vector<1x16xf32> to vector<16xf32>
      %mul3A_379 = arith.mulf %get3A_374, %get3A_378 : vector<16xf32>
      %add3A_380 = arith.addf %scan3A_355, %mul3A_379 : vector<16xf32>
      %get3A_381 = arith.index_cast %scan3A_353 : i32 to index
      %get3A_382 = arith.constant 32 : index
      %get3A_383 = tpu.vector_load %arg12[%get3A_381, %get3A_382] {strides = array<i32>} : memref<128x128xf32, #tpu.memory_space<vmem>>, vector<1x16xf32>,
      %get3A_384 = vector.shape_cast %get3A_383 : vector<1x16xf32> to vector<16xf32>
      %get3A_385 = arith.index_cast %scan3A_353 : i32 to index
      %get3A_386 = arith.constant 32 : index
      %get3A_387 = tpu.vector_load %arg15[%get3A_385, %get3A_386] {strides = array<i32>} : memref<128x128xf32, #tpu.memory_space<vmem>>, vector<1x16xf32>,
      %get3A_388 = vector.shape_cast %get3A_387 : vector<1x16xf32> to vector<16xf32>
      %mul3A_389 = arith.mulf %get3A_384, %get3A_388 : vector<16xf32>
      %add3A_390 = arith.addf %scan3A_356, %mul3A_389 : vector<16xf32>
      %get3A_391 = arith.index_cast %scan3A_353 : i32 to index
      %get3A_392 = arith.constant 48 : index
      %get3A_393 = tpu.vector_load %arg12[%get3A_391, %get3A_392] {strides = array<i32>} : memref<128x128xf32, #tpu.memory_space<vmem>>, vector<1x16xf32>,
      %get3A_394 = vector.shape_cast %get3A_393 : vector<1x16xf32> to vector<16xf32>
      %get3A_395 = arith.index_cast %scan3A_353 : i32 to index
      %get3A_396 = arith.constant 48 : index
      %get3A_397 = tpu.vector_load %arg15[%get3A_395, %get3A_396] {strides = array<i32>} : memref<128x128xf32, #tpu.memory_space<vmem>>, vector<1x16xf32>,
      %get3A_398 = vector.shape_cast %get3A_397 : vector<1x16xf32> to vector<16xf32>
      %mul3A_399 = arith.mulf %get3A_394, %get3A_398 : vector<16xf32>
      %add3A_400 = arith.addf %scan3A_357, %mul3A_399 : vector<16xf32>
      %get3A_401 = arith.index_cast %scan3A_353 : i32 to index
      %get3A_402 = arith.constant 64 : index
      %get3A_403 = tpu.vector_load %arg12[%get3A_401, %get3A_402] {strides = array<i32>} : memref<128x128xf32, #tpu.memory_space<vmem>>, vector<1x16xf32>,
      %get3A_404 = vector.shape_cast %get3A_403 : vector<1x16xf32> to vector<16xf32>
      %get3A_405 = arith.index_cast %scan3A_353 : i32 to index
      %get3A_406 = arith.constant 64 : index
      %get3A_407 = tpu.vector_load %arg15[%get3A_405, %get3A_406] {strides = array<i32>} : memref<128x128xf32, #tpu.memory_space<vmem>>, vector<1x16xf32>,
      %get3A_408 = vector.shape_cast %get3A_407 : vector<1x16xf32> to vector<16xf32>
      %mul3A_409 = arith.mulf %get3A_404, %get3A_408 : vector<16xf32>
      %add3A_410 = arith.addf %scan3A_358, %mul3A_409 : vector<16xf32>
      %get3A_411 = arith.index_cast %scan3A_353 : i32 to index
      %get3A_412 = arith.constant 80 : index
      %get3A_413 = tpu.vector_load %arg12[%get3A_411, %get3A_412] {strides = array<i32>} : memref<128x128xf32, #tpu.memory_space<vmem>>, vector<1x16xf32>,
      %get3A_414 = vector.shape_cast %get3A_413 : vector<1x16xf32> to vector<16xf32>
      %get3A_415 = arith.index_cast %scan3A_353 : i32 to index
      %get3A_416 = arith.constant 80 : index
      %get3A_417 = tpu.vector_load %arg15[%get3A_415, %get3A_416] {strides = array<i32>} : memref<128x128xf32, #tpu.memory_space<vmem>>, vector<1x16xf32>,
      %get3A_418 = vector.shape_cast %get3A_417 : vector<1x16xf32> to vector<16xf32>
      %mul3A_419 = arith.mulf %get3A_414, %get3A_418 : vector<16xf32>
      %add3A_420 = arith.addf %scan3A_359, %mul3A_419 : vector<16xf32>
      %get3A_421 = arith.index_cast %scan3A_353 : i32 to index
      %get3A_422 = arith.constant 96 : index
      %get3A_423 = tpu.vector_load %arg12[%get3A_421, %get3A_422] {strides = array<i32>} : memref<128x128xf32, #tpu.memory_space<vmem>>, vector<1x16xf32>,
      %get3A_424 = vector.shape_cast %get3A_423 : vector<1x16xf32> to vector<16xf32>
      %get3A_425 = arith.index_cast %scan3A_353 : i32 to index
      %get3A_426 = arith.constant 96 : index
      %get3A_427 = tpu.vector_load %arg15[%get3A_425, %get3A_426] {strides = array<i32>} : memref<128x128xf32, #tpu.memory_space<vmem>>, vector<1x16xf32>,
      %get3A_428 = vector.shape_cast %get3A_427 : vector<1x16xf32> to vector<16xf32>
      %mul3A_429 = arith.mulf %get3A_424, %get3A_428 : vector<16xf32>
      %add3A_430 = arith.addf %scan3A_360, %mul3A_429 : vector<16xf32>
      %get3A_431 = arith.index_cast %scan3A_353 : i32 to index
      %get3A_432 = arith.constant 112 : index
      %get3A_433 = tpu.vector_load %arg12[%get3A_431, %get3A_432] {strides = array<i32>} : memref<128x128xf32, #tpu.memory_space<vmem>>, vector<1x16xf32>,
      %get3A_434 = vector.shape_cast %get3A_433 : vector<1x16xf32> to vector<16xf32>
      %get3A_435 = arith.index_cast %scan3A_353 : i32 to index
      %get3A_436 = arith.constant 112 : index
      %get3A_437 = tpu.vector_load %arg15[%get3A_435, %get3A_436] {strides = array<i32>} : memref<128x128xf32, #tpu.memory_space<vmem>>, vector<1x16xf32>,
      %get3A_438 = vector.shape_cast %get3A_437 : vector<1x16xf32> to vector<16xf32>
      %mul3A_439 = arith.mulf %get3A_434, %get3A_438 : vector<16xf32>
      %add3A_440 = arith.addf %scan3A_361, %mul3A_439 : vector<16xf32>
      scf.yield %add3A_370, %add3A_380, %add3A_390, %add3A_400, %add3A_410, %add3A_420, %add3A_430, %add3A_440 : vector<16xf32>, vector<16xf32>, vector<16xf32>, vector<16xf32>, vector<16xf32>, vector<16xf32>, vector<16xf32>, vector<16xf32>
    }
    %scan3A_210 = arith.constant 128 : i32
    %dma_wait3A_211 = arith.constant 2 : i32
    %dma_wait3A_212 = arith.constant 0 : i32
    %dma_wait3A_213 = arith.constant 0 : i32
    %dma_wait3A_214 = tpu.memref_slice %arg10[%dma_wait3A_211, %dma_wait3A_212, %dma_wait3A_213] : memref<4x2x128xi32, #tpu.memory_space<vmem>> -> memref<1x1x128xi32, #tpu.memory_space<vmem>>
    %dma_wait3A_215 = tpu.memref_squeeze %dma_wait3A_214 : memref<1x1x128xi32, #tpu.memory_space<vmem>> -> memref<128xi32, #tpu.memory_space<vmem>>
    %dma_wait3A_216 = arith.constant 0 : i32
    %dma_wait3A_217 = arith.constant 0 : i32
    %dma_wait3A_218 = tpu.memref_slice %arg3[%dma_wait3A_216, %dma_wait3A_217] : memref<100000x128xf32, #tpu.memory_space<hbm>> -> memref<100000x128xf32, #tpu.memory_space<hbm>>
    tpu.wait_indirect_dma semaphore(%arg22 : memref<!tpu.dma_semaphore, #tpu.memory_space<semaphore_mem>>) src(%dma_wait3A_218 : memref<100000x128xf32, #tpu.memory_space<hbm>>) dst(%arg13 : memref<128x128xf32, #tpu.memory_space<vmem>>)
    %dma_wait3A_219 = arith.constant 2 : i32
    %dma_wait3A_220 = arith.constant 1 : i32
    %dma_wait3A_221 = arith.constant 0 : i32
    %dma_wait3A_222 = tpu.memref_slice %arg10[%dma_wait3A_219, %dma_wait3A_220, %dma_wait3A_221] : memref<4x2x128xi32, #tpu.memory_space<vmem>> -> memref<1x1x128xi32, #tpu.memory_space<vmem>>
    %dma_wait3A_223 = tpu.memref_squeeze %dma_wait3A_222 : memref<1x1x128xi32, #tpu.memory_space<vmem>> -> memref<128xi32, #tpu.memory_space<vmem>>
    %dma_wait3A_224 = arith.constant 0 : i32
    %dma_wait3A_225 = arith.constant 0 : i32
    %dma_wait3A_226 = tpu.memref_slice %arg4[%dma_wait3A_224, %dma_wait3A_225] : memref<100000x128xf32, #tpu.memory_space<hbm>> -> memref<100000x128xf32, #tpu.memory_space<hbm>>
    tpu.wait_indirect_dma semaphore(%arg22 : memref<!tpu.dma_semaphore, #tpu.memory_space<semaphore_mem>>) src(%dma_wait3A_226 : memref<100000x128xf32, #tpu.memory_space<hbm>>) dst(%arg16 : memref<128x128xf32, #tpu.memory_space<vmem>>)
    %scan3A_227 = arith.constant 0 : i32
    %scan3A_228 = arith.constant 128 : i32
    %scan3A_229 = arith.addi %scan3A_227, %scan3A_228 : i32
    %scan3A_230 = arith.constant 1 : i32
    %scan3A_231:8 = scf.for %scan3A_353 = %scan3A_227 to %scan3A_229 step %scan3A_230 iter_args(%scan3A_354 = %scan3A_209#0, %scan3A_355 = %scan3A_209#1, %scan3A_356 = %scan3A_209#2, %scan3A_357 = %scan3A_209#3, %scan3A_358 = %scan3A_209#4, %scan3A_359 = %scan3A_209#5, %scan3A_360 = %scan3A_209#6, %scan3A_361 = %scan3A_209#7) -> (vector<16xf32>, vector<16xf32>, vector<16xf32>, vector<16xf32>, vector<16xf32>, vector<16xf32>, vector<16xf32>, vector<16xf32>)  : i32 {
      %get3A = arith.index_cast %scan3A_353 : i32 to index
      %get3A_362 = arith.constant 0 : index
      %get3A_363 = tpu.vector_load %arg13[%get3A, %get3A_362] {strides = array<i32>} : memref<128x128xf32, #tpu.memory_space<vmem>>, vector<1x16xf32>,
      %get3A_364 = vector.shape_cast %get3A_363 : vector<1x16xf32> to vector<16xf32>
      %get3A_365 = arith.index_cast %scan3A_353 : i32 to index
      %get3A_366 = arith.constant 0 : index
      %get3A_367 = tpu.vector_load %arg16[%get3A_365, %get3A_366] {strides = array<i32>} : memref<128x128xf32, #tpu.memory_space<vmem>>, vector<1x16xf32>,
      %get3A_368 = vector.shape_cast %get3A_367 : vector<1x16xf32> to vector<16xf32>
      %mul3A_369 = arith.mulf %get3A_364, %get3A_368 : vector<16xf32>
      %add3A_370 = arith.addf %scan3A_354, %mul3A_369 : vector<16xf32>
      %get3A_371 = arith.index_cast %scan3A_353 : i32 to index
      %get3A_372 = arith.constant 16 : index
      %get3A_373 = tpu.vector_load %arg13[%get3A_371, %get3A_372] {strides = array<i32>} : memref<128x128xf32, #tpu.memory_space<vmem>>, vector<1x16xf32>,
      %get3A_374 = vector.shape_cast %get3A_373 : vector<1x16xf32> to vector<16xf32>
      %get3A_375 = arith.index_cast %scan3A_353 : i32 to index
      %get3A_376 = arith.constant 16 : index
      %get3A_377 = tpu.vector_load %arg16[%get3A_375, %get3A_376] {strides = array<i32>} : memref<128x128xf32, #tpu.memory_space<vmem>>, vector<1x16xf32>,
      %get3A_378 = vector.shape_cast %get3A_377 : vector<1x16xf32> to vector<16xf32>
      %mul3A_379 = arith.mulf %get3A_374, %get3A_378 : vector<16xf32>
      %add3A_380 = arith.addf %scan3A_355, %mul3A_379 : vector<16xf32>
      %get3A_381 = arith.index_cast %scan3A_353 : i32 to index
      %get3A_382 = arith.constant 32 : index
      %get3A_383 = tpu.vector_load %arg13[%get3A_381, %get3A_382] {strides = array<i32>} : memref<128x128xf32, #tpu.memory_space<vmem>>, vector<1x16xf32>,
      %get3A_384 = vector.shape_cast %get3A_383 : vector<1x16xf32> to vector<16xf32>
      %get3A_385 = arith.index_cast %scan3A_353 : i32 to index
      %get3A_386 = arith.constant 32 : index
      %get3A_387 = tpu.vector_load %arg16[%get3A_385, %get3A_386] {strides = array<i32>} : memref<128x128xf32, #tpu.memory_space<vmem>>, vector<1x16xf32>,
      %get3A_388 = vector.shape_cast %get3A_387 : vector<1x16xf32> to vector<16xf32>
      %mul3A_389 = arith.mulf %get3A_384, %get3A_388 : vector<16xf32>
      %add3A_390 = arith.addf %scan3A_356, %mul3A_389 : vector<16xf32>
      %get3A_391 = arith.index_cast %scan3A_353 : i32 to index
      %get3A_392 = arith.constant 48 : index
      %get3A_393 = tpu.vector_load %arg13[%get3A_391, %get3A_392] {strides = array<i32>} : memref<128x128xf32, #tpu.memory_space<vmem>>, vector<1x16xf32>,
      %get3A_394 = vector.shape_cast %get3A_393 : vector<1x16xf32> to vector<16xf32>
      %get3A_395 = arith.index_cast %scan3A_353 : i32 to index
      %get3A_396 = arith.constant 48 : index
      %get3A_397 = tpu.vector_load %arg16[%get3A_395, %get3A_396] {strides = array<i32>} : memref<128x128xf32, #tpu.memory_space<vmem>>, vector<1x16xf32>,
      %get3A_398 = vector.shape_cast %get3A_397 : vector<1x16xf32> to vector<16xf32>
      %mul3A_399 = arith.mulf %get3A_394, %get3A_398 : vector<16xf32>
      %add3A_400 = arith.addf %scan3A_357, %mul3A_399 : vector<16xf32>
      %get3A_401 = arith.index_cast %scan3A_353 : i32 to index
      %get3A_402 = arith.constant 64 : index
      %get3A_403 = tpu.vector_load %arg13[%get3A_401, %get3A_402] {strides = array<i32>} : memref<128x128xf32, #tpu.memory_space<vmem>>, vector<1x16xf32>,
      %get3A_404 = vector.shape_cast %get3A_403 : vector<1x16xf32> to vector<16xf32>
      %get3A_405 = arith.index_cast %scan3A_353 : i32 to index
      %get3A_406 = arith.constant 64 : index
      %get3A_407 = tpu.vector_load %arg16[%get3A_405, %get3A_406] {strides = array<i32>} : memref<128x128xf32, #tpu.memory_space<vmem>>, vector<1x16xf32>,
      %get3A_408 = vector.shape_cast %get3A_407 : vector<1x16xf32> to vector<16xf32>
      %mul3A_409 = arith.mulf %get3A_404, %get3A_408 : vector<16xf32>
      %add3A_410 = arith.addf %scan3A_358, %mul3A_409 : vector<16xf32>
      %get3A_411 = arith.index_cast %scan3A_353 : i32 to index
      %get3A_412 = arith.constant 80 : index
      %get3A_413 = tpu.vector_load %arg13[%get3A_411, %get3A_412] {strides = array<i32>} : memref<128x128xf32, #tpu.memory_space<vmem>>, vector<1x16xf32>,
      %get3A_414 = vector.shape_cast %get3A_413 : vector<1x16xf32> to vector<16xf32>
      %get3A_415 = arith.index_cast %scan3A_353 : i32 to index
      %get3A_416 = arith.constant 80 : index
      %get3A_417 = tpu.vector_load %arg16[%get3A_415, %get3A_416] {strides = array<i32>} : memref<128x128xf32, #tpu.memory_space<vmem>>, vector<1x16xf32>,
      %get3A_418 = vector.shape_cast %get3A_417 : vector<1x16xf32> to vector<16xf32>
      %mul3A_419 = arith.mulf %get3A_414, %get3A_418 : vector<16xf32>
      %add3A_420 = arith.addf %scan3A_359, %mul3A_419 : vector<16xf32>
      %get3A_421 = arith.index_cast %scan3A_353 : i32 to index
      %get3A_422 = arith.constant 96 : index
      %get3A_423 = tpu.vector_load %arg13[%get3A_421, %get3A_422] {strides = array<i32>} : memref<128x128xf32, #tpu.memory_space<vmem>>, vector<1x16xf32>,
      %get3A_424 = vector.shape_cast %get3A_423 : vector<1x16xf32> to vector<16xf32>
      %get3A_425 = arith.index_cast %scan3A_353 : i32 to index
      %get3A_426 = arith.constant 96 : index
      %get3A_427 = tpu.vector_load %arg16[%get3A_425, %get3A_426] {strides = array<i32>} : memref<128x128xf32, #tpu.memory_space<vmem>>, vector<1x16xf32>,
      %get3A_428 = vector.shape_cast %get3A_427 : vector<1x16xf32> to vector<16xf32>
      %mul3A_429 = arith.mulf %get3A_424, %get3A_428 : vector<16xf32>
      %add3A_430 = arith.addf %scan3A_360, %mul3A_429 : vector<16xf32>
      %get3A_431 = arith.index_cast %scan3A_353 : i32 to index
      %get3A_432 = arith.constant 112 : index
      %get3A_433 = tpu.vector_load %arg13[%get3A_431, %get3A_432] {strides = array<i32>} : memref<128x128xf32, #tpu.memory_space<vmem>>, vector<1x16xf32>,
      %get3A_434 = vector.shape_cast %get3A_433 : vector<1x16xf32> to vector<16xf32>
      %get3A_435 = arith.index_cast %scan3A_353 : i32 to index
      %get3A_436 = arith.constant 112 : index
      %get3A_437 = tpu.vector_load %arg16[%get3A_435, %get3A_436] {strides = array<i32>} : memref<128x128xf32, #tpu.memory_space<vmem>>, vector<1x16xf32>,
      %get3A_438 = vector.shape_cast %get3A_437 : vector<1x16xf32> to vector<16xf32>
      %mul3A_439 = arith.mulf %get3A_434, %get3A_438 : vector<16xf32>
      %add3A_440 = arith.addf %scan3A_361, %mul3A_439 : vector<16xf32>
      scf.yield %add3A_370, %add3A_380, %add3A_390, %add3A_400, %add3A_410, %add3A_420, %add3A_430, %add3A_440 : vector<16xf32>, vector<16xf32>, vector<16xf32>, vector<16xf32>, vector<16xf32>, vector<16xf32>, vector<16xf32>, vector<16xf32>
    }
    %scan3A_232 = arith.constant 128 : i32
    %dma_wait3A_233 = arith.constant 3 : i32
    %dma_wait3A_234 = arith.constant 0 : i32
    %dma_wait3A_235 = arith.constant 0 : i32
    %dma_wait3A_236 = tpu.memref_slice %arg10[%dma_wait3A_233, %dma_wait3A_234, %dma_wait3A_235] : memref<4x2x128xi32, #tpu.memory_space<vmem>> -> memref<1x1x128xi32, #tpu.memory_space<vmem>>
    %dma_wait3A_237 = tpu.memref_squeeze %dma_wait3A_236 : memref<1x1x128xi32, #tpu.memory_space<vmem>> -> memref<128xi32, #tpu.memory_space<vmem>>
    %dma_wait3A_238 = arith.constant 0 : i32
    %dma_wait3A_239 = arith.constant 0 : i32
    %dma_wait3A_240 = tpu.memref_slice %arg3[%dma_wait3A_238, %dma_wait3A_239] : memref<100000x128xf32, #tpu.memory_space<hbm>> -> memref<100000x128xf32, #tpu.memory_space<hbm>>
    tpu.wait_indirect_dma semaphore(%arg20 : memref<!tpu.dma_semaphore, #tpu.memory_space<semaphore_mem>>) src(%dma_wait3A_240 : memref<100000x128xf32, #tpu.memory_space<hbm>>) dst(%arg11 : memref<128x128xf32, #tpu.memory_space<vmem>>)
    %dma_wait3A_241 = arith.constant 3 : i32
    %dma_wait3A_242 = arith.constant 1 : i32
    %dma_wait3A_243 = arith.constant 0 : i32
    %dma_wait3A_244 = tpu.memref_slice %arg10[%dma_wait3A_241, %dma_wait3A_242, %dma_wait3A_243] : memref<4x2x128xi32, #tpu.memory_space<vmem>> -> memref<1x1x128xi32, #tpu.memory_space<vmem>>
    %dma_wait3A_245 = tpu.memref_squeeze %dma_wait3A_244 : memref<1x1x128xi32, #tpu.memory_space<vmem>> -> memref<128xi32, #tpu.memory_space<vmem>>
    %dma_wait3A_246 = arith.constant 0 : i32
    %dma_wait3A_247 = arith.constant 0 : i32
    %dma_wait3A_248 = tpu.memref_slice %arg4[%dma_wait3A_246, %dma_wait3A_247] : memref<100000x128xf32, #tpu.memory_space<hbm>> -> memref<100000x128xf32, #tpu.memory_space<hbm>>
    tpu.wait_indirect_dma semaphore(%arg20 : memref<!tpu.dma_semaphore, #tpu.memory_space<semaphore_mem>>) src(%dma_wait3A_248 : memref<100000x128xf32, #tpu.memory_space<hbm>>) dst(%arg14 : memref<128x128xf32, #tpu.memory_space<vmem>>)
    %scan3A_249 = arith.constant 0 : i32
    %scan3A_250 = arith.constant 128 : i32
    %scan3A_251 = arith.addi %scan3A_249, %scan3A_250 : i32
    %scan3A_252 = arith.constant 1 : i32
    %scan3A_253:8 = scf.for %scan3A_353 = %scan3A_249 to %scan3A_251 step %scan3A_252 iter_args(%scan3A_354 = %scan3A_231#0, %scan3A_355 = %scan3A_231#1, %scan3A_356 = %scan3A_231#2, %scan3A_357 = %scan3A_231#3, %scan3A_358 = %scan3A_231#4, %scan3A_359 = %scan3A_231#5, %scan3A_360 = %scan3A_231#6, %scan3A_361 = %scan3A_231#7) -> (vector<16xf32>, vector<16xf32>, vector<16xf32>, vector<16xf32>, vector<16xf32>, vector<16xf32>, vector<16xf32>, vector<16xf32>)  : i32 {
      %get3A = arith.index_cast %scan3A_353 : i32 to index
      %get3A_362 = arith.constant 0 : index
      %get3A_363 = tpu.vector_load %arg11[%get3A, %get3A_362] {strides = array<i32>} : memref<128x128xf32, #tpu.memory_space<vmem>>, vector<1x16xf32>,
      %get3A_364 = vector.shape_cast %get3A_363 : vector<1x16xf32> to vector<16xf32>
      %get3A_365 = arith.index_cast %scan3A_353 : i32 to index
      %get3A_366 = arith.constant 0 : index
      %get3A_367 = tpu.vector_load %arg14[%get3A_365, %get3A_366] {strides = array<i32>} : memref<128x128xf32, #tpu.memory_space<vmem>>, vector<1x16xf32>,
      %get3A_368 = vector.shape_cast %get3A_367 : vector<1x16xf32> to vector<16xf32>
      %mul3A_369 = arith.mulf %get3A_364, %get3A_368 : vector<16xf32>
      %add3A_370 = arith.addf %scan3A_354, %mul3A_369 : vector<16xf32>
      %get3A_371 = arith.index_cast %scan3A_353 : i32 to index
      %get3A_372 = arith.constant 16 : index
      %get3A_373 = tpu.vector_load %arg11[%get3A_371, %get3A_372] {strides = array<i32>} : memref<128x128xf32, #tpu.memory_space<vmem>>, vector<1x16xf32>,
      %get3A_374 = vector.shape_cast %get3A_373 : vector<1x16xf32> to vector<16xf32>
      %get3A_375 = arith.index_cast %scan3A_353 : i32 to index
      %get3A_376 = arith.constant 16 : index
      %get3A_377 = tpu.vector_load %arg14[%get3A_375, %get3A_376] {strides = array<i32>} : memref<128x128xf32, #tpu.memory_space<vmem>>, vector<1x16xf32>,
      %get3A_378 = vector.shape_cast %get3A_377 : vector<1x16xf32> to vector<16xf32>
      %mul3A_379 = arith.mulf %get3A_374, %get3A_378 : vector<16xf32>
      %add3A_380 = arith.addf %scan3A_355, %mul3A_379 : vector<16xf32>
      %get3A_381 = arith.index_cast %scan3A_353 : i32 to index
      %get3A_382 = arith.constant 32 : index
      %get3A_383 = tpu.vector_load %arg11[%get3A_381, %get3A_382] {strides = array<i32>} : memref<128x128xf32, #tpu.memory_space<vmem>>, vector<1x16xf32>,
      %get3A_384 = vector.shape_cast %get3A_383 : vector<1x16xf32> to vector<16xf32>
      %get3A_385 = arith.index_cast %scan3A_353 : i32 to index
      %get3A_386 = arith.constant 32 : index
      %get3A_387 = tpu.vector_load %arg14[%get3A_385, %get3A_386] {strides = array<i32>} : memref<128x128xf32, #tpu.memory_space<vmem>>, vector<1x16xf32>,
      %get3A_388 = vector.shape_cast %get3A_387 : vector<1x16xf32> to vector<16xf32>
      %mul3A_389 = arith.mulf %get3A_384, %get3A_388 : vector<16xf32>
      %add3A_390 = arith.addf %scan3A_356, %mul3A_389 : vector<16xf32>
      %get3A_391 = arith.index_cast %scan3A_353 : i32 to index
      %get3A_392 = arith.constant 48 : index
      %get3A_393 = tpu.vector_load %arg11[%get3A_391, %get3A_392] {strides = array<i32>} : memref<128x128xf32, #tpu.memory_space<vmem>>, vector<1x16xf32>,
      %get3A_394 = vector.shape_cast %get3A_393 : vector<1x16xf32> to vector<16xf32>
      %get3A_395 = arith.index_cast %scan3A_353 : i32 to index
      %get3A_396 = arith.constant 48 : index
      %get3A_397 = tpu.vector_load %arg14[%get3A_395, %get3A_396] {strides = array<i32>} : memref<128x128xf32, #tpu.memory_space<vmem>>, vector<1x16xf32>,
      %get3A_398 = vector.shape_cast %get3A_397 : vector<1x16xf32> to vector<16xf32>
      %mul3A_399 = arith.mulf %get3A_394, %get3A_398 : vector<16xf32>
      %add3A_400 = arith.addf %scan3A_357, %mul3A_399 : vector<16xf32>
      %get3A_401 = arith.index_cast %scan3A_353 : i32 to index
      %get3A_402 = arith.constant 64 : index
      %get3A_403 = tpu.vector_load %arg11[%get3A_401, %get3A_402] {strides = array<i32>} : memref<128x128xf32, #tpu.memory_space<vmem>>, vector<1x16xf32>,
      %get3A_404 = vector.shape_cast %get3A_403 : vector<1x16xf32> to vector<16xf32>
      %get3A_405 = arith.index_cast %scan3A_353 : i32 to index
      %get3A_406 = arith.constant 64 : index
      %get3A_407 = tpu.vector_load %arg14[%get3A_405, %get3A_406] {strides = array<i32>} : memref<128x128xf32, #tpu.memory_space<vmem>>, vector<1x16xf32>,
      %get3A_408 = vector.shape_cast %get3A_407 : vector<1x16xf32> to vector<16xf32>
      %mul3A_409 = arith.mulf %get3A_404, %get3A_408 : vector<16xf32>
      %add3A_410 = arith.addf %scan3A_358, %mul3A_409 : vector<16xf32>
      %get3A_411 = arith.index_cast %scan3A_353 : i32 to index
      %get3A_412 = arith.constant 80 : index
      %get3A_413 = tpu.vector_load %arg11[%get3A_411, %get3A_412] {strides = array<i32>} : memref<128x128xf32, #tpu.memory_space<vmem>>, vector<1x16xf32>,
      %get3A_414 = vector.shape_cast %get3A_413 : vector<1x16xf32> to vector<16xf32>
      %get3A_415 = arith.index_cast %scan3A_353 : i32 to index
      %get3A_416 = arith.constant 80 : index
      %get3A_417 = tpu.vector_load %arg14[%get3A_415, %get3A_416] {strides = array<i32>} : memref<128x128xf32, #tpu.memory_space<vmem>>, vector<1x16xf32>,
      %get3A_418 = vector.shape_cast %get3A_417 : vector<1x16xf32> to vector<16xf32>
      %mul3A_419 = arith.mulf %get3A_414, %get3A_418 : vector<16xf32>
      %add3A_420 = arith.addf %scan3A_359, %mul3A_419 : vector<16xf32>
      %get3A_421 = arith.index_cast %scan3A_353 : i32 to index
      %get3A_422 = arith.constant 96 : index
      %get3A_423 = tpu.vector_load %arg11[%get3A_421, %get3A_422] {strides = array<i32>} : memref<128x128xf32, #tpu.memory_space<vmem>>, vector<1x16xf32>,
      %get3A_424 = vector.shape_cast %get3A_423 : vector<1x16xf32> to vector<16xf32>
      %get3A_425 = arith.index_cast %scan3A_353 : i32 to index
      %get3A_426 = arith.constant 96 : index
      %get3A_427 = tpu.vector_load %arg14[%get3A_425, %get3A_426] {strides = array<i32>} : memref<128x128xf32, #tpu.memory_space<vmem>>, vector<1x16xf32>,
      %get3A_428 = vector.shape_cast %get3A_427 : vector<1x16xf32> to vector<16xf32>
      %mul3A_429 = arith.mulf %get3A_424, %get3A_428 : vector<16xf32>
      %add3A_430 = arith.addf %scan3A_360, %mul3A_429 : vector<16xf32>
      %get3A_431 = arith.index_cast %scan3A_353 : i32 to index
      %get3A_432 = arith.constant 112 : index
      %get3A_433 = tpu.vector_load %arg11[%get3A_431, %get3A_432] {strides = array<i32>} : memref<128x128xf32, #tpu.memory_space<vmem>>, vector<1x16xf32>,
      %get3A_434 = vector.shape_cast %get3A_433 : vector<1x16xf32> to vector<16xf32>
      %get3A_435 = arith.index_cast %scan3A_353 : i32 to index
      %get3A_436 = arith.constant 112 : index
      %get3A_437 = tpu.vector_load %arg14[%get3A_435, %get3A_436] {strides = array<i32>} : memref<128x128xf32, #tpu.memory_space<vmem>>, vector<1x16xf32>,
      %get3A_438 = vector.shape_cast %get3A_437 : vector<1x16xf32> to vector<16xf32>
      %mul3A_439 = arith.mulf %get3A_434, %get3A_438 : vector<16xf32>
      %add3A_440 = arith.addf %scan3A_361, %mul3A_439 : vector<16xf32>
      scf.yield %add3A_370, %add3A_380, %add3A_390, %add3A_400, %add3A_410, %add3A_420, %add3A_430, %add3A_440 : vector<16xf32>, vector<16xf32>, vector<16xf32>, vector<16xf32>, vector<16xf32>, vector<16xf32>, vector<16xf32>, vector<16xf32>
    }
    %scan3A_254 = arith.constant 128 : i32
    %add3A_255 = arith.addf %scan3A_253#0, %scan3A_253#1 : vector<16xf32>
    %add3A_256 = arith.addf %add3A_255, %scan3A_253#2 : vector<16xf32>
    %add3A_257 = arith.addf %add3A_256, %scan3A_253#3 : vector<16xf32>
    %add3A_258 = arith.addf %add3A_257, %scan3A_253#4 : vector<16xf32>
    %add3A_259 = arith.addf %add3A_258, %scan3A_253#5 : vector<16xf32>
    %add3A_260 = arith.addf %add3A_259, %scan3A_253#6 : vector<16xf32>
    %add3A_261 = arith.addf %add3A_260, %scan3A_253#7 : vector<16xf32>
    %swap3A = arith.constant 0 : index
    %swap3A_262 = tpu.vector_load %arg19[%swap3A] {strides = array<i32>} : memref<16xf32, #tpu.memory_space<vmem>>, vector<16xf32>,
    %swap3A_263 = vector.shape_cast %swap3A_262 : vector<16xf32> to vector<16xf32>
    %swap3A_264 = vector.shape_cast %add3A_261 : vector<16xf32> to vector<16xf32>
    tpu.vector_store %arg19[%swap3A], %swap3A_264 {strides = array<i32>} : memref<16xf32, #tpu.memory_space<vmem>>, vector<16xf32>,
    "tpu.region"() ({
      %run_scoped3A = tpu.sem_alloc : memref<!tpu.dma_semaphore, #tpu.memory_space<semaphore_mem>>
      %dma_start3A_353 = arith.constant 0 : i32
      %dma_start3A_354 = tpu.memref_slice %arg7[%add3A, %dma_start3A_353] : memref<32x16xf32, #tpu.memory_space<hbm>> -> memref<1x16xf32, #tpu.memory_space<hbm>>
      %dma_start3A_355 = tpu.memref_squeeze %dma_start3A_354 : memref<1x16xf32, #tpu.memory_space<hbm>> -> memref<16xf32, #tpu.memory_space<hbm>>
      %dma_start3A_356 = arith.constant 0 : i32
      %dma_start3A_357 = tpu.memref_slice %arg7[%add3A, %dma_start3A_356] : memref<32x16xf32, #tpu.memory_space<hbm>> -> memref<1x16xf32, #tpu.memory_space<hbm>>
      %dma_start3A_358 = tpu.memref_squeeze %dma_start3A_357 : memref<1x16xf32, #tpu.memory_space<hbm>> -> memref<16xf32, #tpu.memory_space<hbm>>
      tpu.enqueue_dma source(%arg19 : memref<16xf32, #tpu.memory_space<vmem>>) target(%dma_start3A_358 : memref<16xf32, #tpu.memory_space<hbm>>) target_semaphore(%run_scoped3A : memref<!tpu.dma_semaphore, #tpu.memory_space<semaphore_mem>>)
      %dma_wait3A_359 = arith.constant 0 : i32
      %dma_wait3A_360 = tpu.memref_slice %arg7[%add3A, %dma_wait3A_359] : memref<32x16xf32, #tpu.memory_space<hbm>> -> memref<1x16xf32, #tpu.memory_space<hbm>>
      %dma_wait3A_361 = tpu.memref_squeeze %dma_wait3A_360 : memref<1x16xf32, #tpu.memory_space<hbm>> -> memref<16xf32, #tpu.memory_space<hbm>>
      %dma_wait3A_362 = arith.constant 0 : i32
      %dma_wait3A_363 = tpu.memref_slice %arg7[%add3A, %dma_wait3A_362] : memref<32x16xf32, #tpu.memory_space<hbm>> -> memref<1x16xf32, #tpu.memory_space<hbm>>
      %dma_wait3A_364 = tpu.memref_squeeze %dma_wait3A_363 : memref<1x16xf32, #tpu.memory_space<hbm>> -> memref<16xf32, #tpu.memory_space<hbm>>
      tpu.wait_dma2 semaphore(%run_scoped3A : memref<!tpu.dma_semaphore, #tpu.memory_space<semaphore_mem>>) src(%arg19 : memref<16xf32, #tpu.memory_space<vmem>>) dst(%dma_wait3A_364 : memref<16xf32, #tpu.memory_space<hbm>>)
      tpu.yield
    }) : () -> ()
    %dma_wait3A_265 = arith.constant 0 : i32
    %dma_wait3A_266 = arith.constant 0 : i32
    %dma_wait3A_267 = arith.constant 0 : i32
    %dma_wait3A_268 = arith.constant 0 : i32
    %dma_wait3A_269 = tpu.memref_slice %arg17[%dma_wait3A_267, %dma_wait3A_268] : memref<4x128xf32, #tpu.memory_space<vmem>> -> memref<1x128xf32, #tpu.memory_space<vmem>>
    %dma_wait3A_270 = tpu.memref_squeeze %dma_wait3A_269 : memref<1x128xf32, #tpu.memory_space<vmem>> -> memref<128xf32, #tpu.memory_space<vmem>>
    %dma_wait3A_271 = arith.constant 0 : i32
    %dma_wait3A_272 = tpu.memref_slice %arg10[%dma_wait3A_265, %dma_wait3A_266, %dma_wait3A_271] : memref<4x2x128xi32, #tpu.memory_space<vmem>> -> memref<1x1x128xi32, #tpu.memory_space<vmem>>
    %dma_wait3A_273 = tpu.memref_squeeze %dma_wait3A_272 : memref<1x1x128xi32, #tpu.memory_space<vmem>> -> memref<128xi32, #tpu.memory_space<vmem>>
    %dma_wait3A_274 = arith.constant 0 : i32
    %dma_wait3A_275 = tpu.memref_slice %arg5[%dma_wait3A_274] : memref<100000xf32, #tpu.memory_space<hbm>> -> memref<100000xf32, #tpu.memory_space<hbm>>
    tpu.wait_indirect_dma semaphore(%arg23 : memref<!tpu.dma_semaphore, #tpu.memory_space<semaphore_mem>>) src(%dma_wait3A_275 : memref<100000xf32, #tpu.memory_space<hbm>>) dst(%dma_wait3A_270 : memref<128xf32, #tpu.memory_space<vmem>>)
    %dma_wait3A_276 = arith.constant 0 : i32
    %dma_wait3A_277 = arith.constant 1 : i32
    %dma_wait3A_278 = arith.constant 0 : i32
    %dma_wait3A_279 = arith.constant 0 : i32
    %dma_wait3A_280 = tpu.memref_slice %arg18[%dma_wait3A_278, %dma_wait3A_279] : memref<4x128xf32, #tpu.memory_space<vmem>> -> memref<1x128xf32, #tpu.memory_space<vmem>>
    %dma_wait3A_281 = tpu.memref_squeeze %dma_wait3A_280 : memref<1x128xf32, #tpu.memory_space<vmem>> -> memref<128xf32, #tpu.memory_space<vmem>>
    %dma_wait3A_282 = arith.constant 0 : i32
    %dma_wait3A_283 = tpu.memref_slice %arg10[%dma_wait3A_276, %dma_wait3A_277, %dma_wait3A_282] : memref<4x2x128xi32, #tpu.memory_space<vmem>> -> memref<1x1x128xi32, #tpu.memory_space<vmem>>
    %dma_wait3A_284 = tpu.memref_squeeze %dma_wait3A_283 : memref<1x1x128xi32, #tpu.memory_space<vmem>> -> memref<128xi32, #tpu.memory_space<vmem>>
    %dma_wait3A_285 = arith.constant 0 : i32
    %dma_wait3A_286 = tpu.memref_slice %arg6[%dma_wait3A_285] : memref<100000xf32, #tpu.memory_space<hbm>> -> memref<100000xf32, #tpu.memory_space<hbm>>
    tpu.wait_indirect_dma semaphore(%arg23 : memref<!tpu.dma_semaphore, #tpu.memory_space<semaphore_mem>>) src(%dma_wait3A_286 : memref<100000xf32, #tpu.memory_space<hbm>>) dst(%dma_wait3A_281 : memref<128xf32, #tpu.memory_space<vmem>>)
    %dma_wait3A_287 = arith.constant 1 : i32
    %dma_wait3A_288 = arith.constant 0 : i32
    %dma_wait3A_289 = arith.constant 1 : i32
    %dma_wait3A_290 = arith.constant 0 : i32
    %dma_wait3A_291 = tpu.memref_slice %arg17[%dma_wait3A_289, %dma_wait3A_290] : memref<4x128xf32, #tpu.memory_space<vmem>> -> memref<1x128xf32, #tpu.memory_space<vmem>>
    %dma_wait3A_292 = tpu.memref_squeeze %dma_wait3A_291 : memref<1x128xf32, #tpu.memory_space<vmem>> -> memref<128xf32, #tpu.memory_space<vmem>>
    %dma_wait3A_293 = arith.constant 0 : i32
    %dma_wait3A_294 = tpu.memref_slice %arg10[%dma_wait3A_287, %dma_wait3A_288, %dma_wait3A_293] : memref<4x2x128xi32, #tpu.memory_space<vmem>> -> memref<1x1x128xi32, #tpu.memory_space<vmem>>
    %dma_wait3A_295 = tpu.memref_squeeze %dma_wait3A_294 : memref<1x1x128xi32, #tpu.memory_space<vmem>> -> memref<128xi32, #tpu.memory_space<vmem>>
    %dma_wait3A_296 = arith.constant 0 : i32
    %dma_wait3A_297 = tpu.memref_slice %arg5[%dma_wait3A_296] : memref<100000xf32, #tpu.memory_space<hbm>> -> memref<100000xf32, #tpu.memory_space<hbm>>
    tpu.wait_indirect_dma semaphore(%arg23 : memref<!tpu.dma_semaphore, #tpu.memory_space<semaphore_mem>>) src(%dma_wait3A_297 : memref<100000xf32, #tpu.memory_space<hbm>>) dst(%dma_wait3A_292 : memref<128xf32, #tpu.memory_space<vmem>>)
    %dma_wait3A_298 = arith.constant 1 : i32
    %dma_wait3A_299 = arith.constant 1 : i32
    %dma_wait3A_300 = arith.constant 1 : i32
    %dma_wait3A_301 = arith.constant 0 : i32
    %dma_wait3A_302 = tpu.memref_slice %arg18[%dma_wait3A_300, %dma_wait3A_301] : memref<4x128xf32, #tpu.memory_space<vmem>> -> memref<1x128xf32, #tpu.memory_space<vmem>>
    %dma_wait3A_303 = tpu.memref_squeeze %dma_wait3A_302 : memref<1x128xf32, #tpu.memory_space<vmem>> -> memref<128xf32, #tpu.memory_space<vmem>>
    %dma_wait3A_304 = arith.constant 0 : i32
    %dma_wait3A_305 = tpu.memref_slice %arg10[%dma_wait3A_298, %dma_wait3A_299, %dma_wait3A_304] : memref<4x2x128xi32, #tpu.memory_space<vmem>> -> memref<1x1x128xi32, #tpu.memory_space<vmem>>
    %dma_wait3A_306 = tpu.memref_squeeze %dma_wait3A_305 : memref<1x1x128xi32, #tpu.memory_space<vmem>> -> memref<128xi32, #tpu.memory_space<vmem>>
    %dma_wait3A_307 = arith.constant 0 : i32
    %dma_wait3A_308 = tpu.memref_slice %arg6[%dma_wait3A_307] : memref<100000xf32, #tpu.memory_space<hbm>> -> memref<100000xf32, #tpu.memory_space<hbm>>
    tpu.wait_indirect_dma semaphore(%arg23 : memref<!tpu.dma_semaphore, #tpu.memory_space<semaphore_mem>>) src(%dma_wait3A_308 : memref<100000xf32, #tpu.memory_space<hbm>>) dst(%dma_wait3A_303 : memref<128xf32, #tpu.memory_space<vmem>>)
    %dma_wait3A_309 = arith.constant 2 : i32
    %dma_wait3A_310 = arith.constant 0 : i32
    %dma_wait3A_311 = arith.constant 2 : i32
    %dma_wait3A_312 = arith.constant 0 : i32
    %dma_wait3A_313 = tpu.memref_slice %arg17[%dma_wait3A_311, %dma_wait3A_312] : memref<4x128xf32, #tpu.memory_space<vmem>> -> memref<1x128xf32, #tpu.memory_space<vmem>>
    %dma_wait3A_314 = tpu.memref_squeeze %dma_wait3A_313 : memref<1x128xf32, #tpu.memory_space<vmem>> -> memref<128xf32, #tpu.memory_space<vmem>>
    %dma_wait3A_315 = arith.constant 0 : i32
    %dma_wait3A_316 = tpu.memref_slice %arg10[%dma_wait3A_309, %dma_wait3A_310, %dma_wait3A_315] : memref<4x2x128xi32, #tpu.memory_space<vmem>> -> memref<1x1x128xi32, #tpu.memory_space<vmem>>
    %dma_wait3A_317 = tpu.memref_squeeze %dma_wait3A_316 : memref<1x1x128xi32, #tpu.memory_space<vmem>> -> memref<128xi32, #tpu.memory_space<vmem>>
    %dma_wait3A_318 = arith.constant 0 : i32
    %dma_wait3A_319 = tpu.memref_slice %arg5[%dma_wait3A_318] : memref<100000xf32, #tpu.memory_space<hbm>> -> memref<100000xf32, #tpu.memory_space<hbm>>
    tpu.wait_indirect_dma semaphore(%arg23 : memref<!tpu.dma_semaphore, #tpu.memory_space<semaphore_mem>>) src(%dma_wait3A_319 : memref<100000xf32, #tpu.memory_space<hbm>>) dst(%dma_wait3A_314 : memref<128xf32, #tpu.memory_space<vmem>>)
    %dma_wait3A_320 = arith.constant 2 : i32
    %dma_wait3A_321 = arith.constant 1 : i32
    %dma_wait3A_322 = arith.constant 2 : i32
    %dma_wait3A_323 = arith.constant 0 : i32
    %dma_wait3A_324 = tpu.memref_slice %arg18[%dma_wait3A_322, %dma_wait3A_323] : memref<4x128xf32, #tpu.memory_space<vmem>> -> memref<1x128xf32, #tpu.memory_space<vmem>>
    %dma_wait3A_325 = tpu.memref_squeeze %dma_wait3A_324 : memref<1x128xf32, #tpu.memory_space<vmem>> -> memref<128xf32, #tpu.memory_space<vmem>>
    %dma_wait3A_326 = arith.constant 0 : i32
    %dma_wait3A_327 = tpu.memref_slice %arg10[%dma_wait3A_320, %dma_wait3A_321, %dma_wait3A_326] : memref<4x2x128xi32, #tpu.memory_space<vmem>> -> memref<1x1x128xi32, #tpu.memory_space<vmem>>
    %dma_wait3A_328 = tpu.memref_squeeze %dma_wait3A_327 : memref<1x1x128xi32, #tpu.memory_space<vmem>> -> memref<128xi32, #tpu.memory_space<vmem>>
    %dma_wait3A_329 = arith.constant 0 : i32
    %dma_wait3A_330 = tpu.memref_slice %arg6[%dma_wait3A_329] : memref<100000xf32, #tpu.memory_space<hbm>> -> memref<100000xf32, #tpu.memory_space<hbm>>
    tpu.wait_indirect_dma semaphore(%arg23 : memref<!tpu.dma_semaphore, #tpu.memory_space<semaphore_mem>>) src(%dma_wait3A_330 : memref<100000xf32, #tpu.memory_space<hbm>>) dst(%dma_wait3A_325 : memref<128xf32, #tpu.memory_space<vmem>>)
    %dma_wait3A_331 = arith.constant 3 : i32
    %dma_wait3A_332 = arith.constant 0 : i32
    %dma_wait3A_333 = arith.constant 3 : i32
    %dma_wait3A_334 = arith.constant 0 : i32
    %dma_wait3A_335 = tpu.memref_slice %arg17[%dma_wait3A_333, %dma_wait3A_334] : memref<4x128xf32, #tpu.memory_space<vmem>> -> memref<1x128xf32, #tpu.memory_space<vmem>>
    %dma_wait3A_336 = tpu.memref_squeeze %dma_wait3A_335 : memref<1x128xf32, #tpu.memory_space<vmem>> -> memref<128xf32, #tpu.memory_space<vmem>>
    %dma_wait3A_337 = arith.constant 0 : i32
    %dma_wait3A_338 = tpu.memref_slice %arg10[%dma_wait3A_331, %dma_wait3A_332, %dma_wait3A_337] : memref<4x2x128xi32, #tpu.memory_space<vmem>> -> memref<1x1x128xi32, #tpu.memory_space<vmem>>
    %dma_wait3A_339 = tpu.memref_squeeze %dma_wait3A_338 : memref<1x1x128xi32, #tpu.memory_space<vmem>> -> memref<128xi32, #tpu.memory_space<vmem>>
    %dma_wait3A_340 = arith.constant 0 : i32
    %dma_wait3A_341 = tpu.memref_slice %arg5[%dma_wait3A_340] : memref<100000xf32, #tpu.memory_space<hbm>> -> memref<100000xf32, #tpu.memory_space<hbm>>
    tpu.wait_indirect_dma semaphore(%arg23 : memref<!tpu.dma_semaphore, #tpu.memory_space<semaphore_mem>>) src(%dma_wait3A_341 : memref<100000xf32, #tpu.memory_space<hbm>>) dst(%dma_wait3A_336 : memref<128xf32, #tpu.memory_space<vmem>>)
    %dma_wait3A_342 = arith.constant 3 : i32
    %dma_wait3A_343 = arith.constant 1 : i32
    %dma_wait3A_344 = arith.constant 3 : i32
    %dma_wait3A_345 = arith.constant 0 : i32
    %dma_wait3A_346 = tpu.memref_slice %arg18[%dma_wait3A_344, %dma_wait3A_345] : memref<4x128xf32, #tpu.memory_space<vmem>> -> memref<1x128xf32, #tpu.memory_space<vmem>>
    %dma_wait3A_347 = tpu.memref_squeeze %dma_wait3A_346 : memref<1x128xf32, #tpu.memory_space<vmem>> -> memref<128xf32, #tpu.memory_space<vmem>>
    %dma_wait3A_348 = arith.constant 0 : i32
    %dma_wait3A_349 = tpu.memref_slice %arg10[%dma_wait3A_342, %dma_wait3A_343, %dma_wait3A_348] : memref<4x2x128xi32, #tpu.memory_space<vmem>> -> memref<1x1x128xi32, #tpu.memory_space<vmem>>
    %dma_wait3A_350 = tpu.memref_squeeze %dma_wait3A_349 : memref<1x1x128xi32, #tpu.memory_space<vmem>> -> memref<128xi32, #tpu.memory_space<vmem>>
    %dma_wait3A_351 = arith.constant 0 : i32
    %dma_wait3A_352 = tpu.memref_slice %arg6[%dma_wait3A_351] : memref<100000xf32, #tpu.memory_space<hbm>> -> memref<100000xf32, #tpu.memory_space<hbm>>
    tpu.wait_indirect_dma semaphore(%arg23 : memref<!tpu.dma_semaphore, #tpu.memory_space<semaphore_mem>>) src(%dma_wait3A_352 : memref<100000xf32, #tpu.memory_space<hbm>>) dst(%dma_wait3A_347 : memref<128xf32, #tpu.memory_space<vmem>>)
    "tpu.region"() ({
      %run_scoped3A = tpu.sem_alloc : memref<!tpu.dma_semaphore, #tpu.memory_space<semaphore_mem>>
      %dma_start3A_353 = arith.constant 0 : i32
      %dma_start3A_354 = arith.constant 0 : i32
      %dma_start3A_355 = tpu.memref_slice %arg8[%add3A, %dma_start3A_353, %dma_start3A_354] : memref<32x4x128xf32, #tpu.memory_space<hbm>> -> memref<1x4x128xf32, #tpu.memory_space<hbm>>
      %dma_start3A_356 = tpu.memref_squeeze %dma_start3A_355 : memref<1x4x128xf32, #tpu.memory_space<hbm>> -> memref<4x128xf32, #tpu.memory_space<hbm>>
      %dma_start3A_357 = arith.constant 0 : i32
      %dma_start3A_358 = arith.constant 0 : i32
      %dma_start3A_359 = tpu.memref_slice %arg8[%add3A, %dma_start3A_357, %dma_start3A_358] : memref<32x4x128xf32, #tpu.memory_space<hbm>> -> memref<1x4x128xf32, #tpu.memory_space<hbm>>
      %dma_start3A_360 = tpu.memref_squeeze %dma_start3A_359 : memref<1x4x128xf32, #tpu.memory_space<hbm>> -> memref<4x128xf32, #tpu.memory_space<hbm>>
      tpu.enqueue_dma source(%arg17 : memref<4x128xf32, #tpu.memory_space<vmem>>) target(%dma_start3A_360 : memref<4x128xf32, #tpu.memory_space<hbm>>) target_semaphore(%run_scoped3A : memref<!tpu.dma_semaphore, #tpu.memory_space<semaphore_mem>>)
      %dma_wait3A_361 = arith.constant 0 : i32
      %dma_wait3A_362 = arith.constant 0 : i32
      %dma_wait3A_363 = tpu.memref_slice %arg8[%add3A, %dma_wait3A_361, %dma_wait3A_362] : memref<32x4x128xf32, #tpu.memory_space<hbm>> -> memref<1x4x128xf32, #tpu.memory_space<hbm>>
      %dma_wait3A_364 = tpu.memref_squeeze %dma_wait3A_363 : memref<1x4x128xf32, #tpu.memory_space<hbm>> -> memref<4x128xf32, #tpu.memory_space<hbm>>
      %dma_wait3A_365 = arith.constant 0 : i32
      %dma_wait3A_366 = arith.constant 0 : i32
      %dma_wait3A_367 = tpu.memref_slice %arg8[%add3A, %dma_wait3A_365, %dma_wait3A_366] : memref<32x4x128xf32, #tpu.memory_space<hbm>> -> memref<1x4x128xf32, #tpu.memory_space<hbm>>
      %dma_wait3A_368 = tpu.memref_squeeze %dma_wait3A_367 : memref<1x4x128xf32, #tpu.memory_space<hbm>> -> memref<4x128xf32, #tpu.memory_space<hbm>>
      tpu.wait_dma2 semaphore(%run_scoped3A : memref<!tpu.dma_semaphore, #tpu.memory_space<semaphore_mem>>) src(%arg17 : memref<4x128xf32, #tpu.memory_space<vmem>>) dst(%dma_wait3A_368 : memref<4x128xf32, #tpu.memory_space<hbm>>)
      tpu.yield
    }) : () -> ()
    "tpu.region"() ({
      %run_scoped3A = tpu.sem_alloc : memref<!tpu.dma_semaphore, #tpu.memory_space<semaphore_mem>>
      %dma_start3A_353 = arith.constant 0 : i32
      %dma_start3A_354 = arith.constant 0 : i32
      %dma_start3A_355 = tpu.memref_slice %arg9[%add3A, %dma_start3A_353, %dma_start3A_354] : memref<32x4x128xf32, #tpu.memory_space<hbm>> -> memref<1x4x128xf32, #tpu.memory_space<hbm>>
      %dma_start3A_356 = tpu.memref_squeeze %dma_start3A_355 : memref<1x4x128xf32, #tpu.memory_space<hbm>> -> memref<4x128xf32, #tpu.memory_space<hbm>>
      %dma_start3A_357 = arith.constant 0 : i32
      %dma_start3A_358 = arith.constant 0 : i32
      %dma_start3A_359 = tpu.memref_slice %arg9[%add3A, %dma_start3A_357, %dma_start3A_358] : memref<32x4x128xf32, #tpu.memory_space<hbm>> -> memref<1x4x128xf32, #tpu.memory_space<hbm>>
      %dma_start3A_360 = tpu.memref_squeeze %dma_start3A_359 : memref<1x4x128xf32, #tpu.memory_space<hbm>> -> memref<4x128xf32, #tpu.memory_space<hbm>>
      tpu.enqueue_dma source(%arg18 : memref<4x128xf32, #tpu.memory_space<vmem>>) target(%dma_start3A_360 : memref<4x128xf32, #tpu.memory_space<hbm>>) target_semaphore(%run_scoped3A : memref<!tpu.dma_semaphore, #tpu.memory_space<semaphore_mem>>)
      %dma_wait3A_361 = arith.constant 0 : i32
      %dma_wait3A_362 = arith.constant 0 : i32
      %dma_wait3A_363 = tpu.memref_slice %arg9[%add3A, %dma_wait3A_361, %dma_wait3A_362] : memref<32x4x128xf32, #tpu.memory_space<hbm>> -> memref<1x4x128xf32, #tpu.memory_space<hbm>>
      %dma_wait3A_364 = tpu.memref_squeeze %dma_wait3A_363 : memref<1x4x128xf32, #tpu.memory_space<hbm>> -> memref<4x128xf32, #tpu.memory_space<hbm>>
      %dma_wait3A_365 = arith.constant 0 : i32
      %dma_wait3A_366 = arith.constant 0 : i32
      %dma_wait3A_367 = tpu.memref_slice %arg9[%add3A, %dma_wait3A_365, %dma_wait3A_366] : memref<32x4x128xf32, #tpu.memory_space<hbm>> -> memref<1x4x128xf32, #tpu.memory_space<hbm>>
      %dma_wait3A_368 = tpu.memref_squeeze %dma_wait3A_367 : memref<1x4x128xf32, #tpu.memory_space<hbm>> -> memref<4x128xf32, #tpu.memory_space<hbm>>
      tpu.wait_dma2 semaphore(%run_scoped3A : memref<!tpu.dma_semaphore, #tpu.memory_space<semaphore_mem>>) src(%arg18 : memref<4x128xf32, #tpu.memory_space<vmem>>) dst(%dma_wait3A_368 : memref<4x128xf32, #tpu.memory_space<hbm>>)
      tpu.yield
    }) : () -> ()
    return
  }
}

module attributes {stable_mosaic.version = 14 : i64} {
  func.func @_combine(%arg0: memref<32x16xf32, #tpu.memory_space<vmem>>, %arg1: memref<128x128xf32, #tpu.memory_space<vmem>>, %arg2: memref<128x128xf32, #tpu.memory_space<vmem>>, %arg3: memref<128x128xf32, #tpu.memory_space<vmem>>) attributes {dimension_semantics = [], scalar_prefetch = 0 : i64, scratch_operands = 0 : i64, tpu.core_type = #tpu.core_type<tc>} {
    %get3A = arith.constant 0 : index
    %get3A_0 = arith.constant 0 : index
    %get3A_1 = vector.load %arg0[%get3A, %get3A_0] : memref<32x16xf32, #tpu.memory_space<vmem>>, vector<32x16xf32>
    %reduce_sum3A = vector.shape_cast %get3A_1 : vector<32x16xf32> to vector<1x32x16xf32>
    %reduce_sum3A_2 = arith.constant dense<0.000000e+00> : vector<1xf32>
    %reduce_sum3A_3 = vector.multi_reduction <add>, %reduce_sum3A, %reduce_sum3A_2 [1, 2] : vector<1x32x16xf32> to vector<1xf32>
    %reduce_sum3A_4 = vector.shape_cast %reduce_sum3A_3 : vector<1xf32> to vector<1x1x1xf32>
    %reduce_sum3A_5 = vector.extract %reduce_sum3A_4[0, 0, 0] : f32 from vector<1x1x1xf32>
    %get3A_6 = arith.constant 0 : index
    %get3A_7 = arith.constant 0 : index
    %get3A_8 = vector.load %arg1[%get3A_6, %get3A_7] : memref<128x128xf32, #tpu.memory_space<vmem>>, vector<128x128xf32>
    %get3A_9 = arith.constant 0 : index
    %get3A_10 = arith.constant 0 : index
    %get3A_11 = vector.load %arg2[%get3A_9, %get3A_10] : memref<128x128xf32, #tpu.memory_space<vmem>>, vector<128x128xf32>
    %add3A = arith.addf %get3A_8, %get3A_11 : vector<128x128xf32>
    %add3A_12 = vector.broadcast %reduce_sum3A_5 : f32 to vector<128x128xf32>
    %add3A_13 = arith.addf %add3A, %add3A_12 : vector<128x128xf32>
    %logistic3A = arith.negf %add3A_13 : vector<128x128xf32>
    %logistic3A_14 = math.exp %logistic3A : vector<128x128xf32>
    %logistic3A_15 = arith.constant 1.000000e+00 : f32
    %logistic3A_16 = vector.broadcast %logistic3A_15 : f32 to vector<128x128xf32>
    %logistic3A_17 = arith.addf %logistic3A_16, %logistic3A_14 : vector<128x128xf32>
    %logistic3A_18 = arith.divf %logistic3A_16, %logistic3A_17 : vector<128x128xf32>
    %swap3A = arith.constant 0 : index
    %swap3A_19 = arith.constant 0 : index
    %swap3A_20 = vector.load %arg3[%swap3A, %swap3A_19] : memref<128x128xf32, #tpu.memory_space<vmem>>, vector<128x128xf32>
    tpu.vector_store %arg3[%swap3A, %swap3A_19], %logistic3A_18 {strides = array<i32>} : memref<128x128xf32, #tpu.memory_space<vmem>>, vector<128x128xf32>,
    return
  }
}

</mosaic_0001>

<sc_bundles>
// kernel: kernel.4.cloned.1.call-start
scs
__scs_entry_jumppad:
0x0: {  	(pc) =	sbr.rel $0x88, $3  }
0x1: {  	(tag) =	ssettag $0x0;
	lr =	simm.s32 $0x1  }
0x2: {  	[smem:$0x3F9C] =	sst lr;
	_ =	strace $0xD0000000  }
0x3: {  	_ = 	snop  }
0x4: {  	_ = 	snop  }
0x5: {  	_ = 	snop  }
0x6: {  	_ = 	snop  }
0x7: {  	_ = 	snop  }
__scs_overlays_trampoline_lowered:
0x8: {  	[smem:$0x3FAB] =	sst s0  }
0x9: {  	[smem:$0x3FAC] =	sst s1  }
0xa: {  	[smem:$0x3FAD] =	sst s2  }
0xb: {  	[smem:$0x3FAE] =	sst s3  }
0xc: {  	[smem:$0x3FAF] =	sst s4  }
0xd: {  	[smem:$0x3FB0] =	sst s5  }
0xe: {  	[smem:$0x3FB1] =	sst s6  }
0xf: {  	[smem:$0x3FB2] =	sst s7  }
0x10: {  	[smem:$0x3FB3] =	sst s8  }
0x11: {  	[smem:$0x3FB4] =	sst s9;
	s0 =	simm.s32 @!p0 $0x0  }
0x12: {  	s1 =	sld [smem:$0x3F9A];
	s0 =	simm.s32 @p0 $0x1  }
0x13: {  	[smem:$0x3FB5] =	sst s0;
	s0 =	simm.s32 @!p1 $0x0  }
0x14: {  	s2 =	sld [smem:$0x3F99];
	s0 =	simm.s32 @p1 $0x1  }
0x15: {  	[smem:$0x3FB6] =	sst s0;
	s0 =	simm.s32 @!p2 $0x0  }
0x16: {  	s3 =	sld [smem:$0x3FDB];
	s0 =	simm.s32 @p2 $0x1  }
0x17: {  	s4 =	simm.s32 $0x1BF5;
	[smem:$0x3FB8] =	sst s0  }
0x18: {  	s0 =	sld [smem:$0x3F9B];
	_ =	swait.ge [sflag:s4], $0x0  }
0x19: {  	s7 =	sld [smem:$0x3F9C]  }
0x1a: {  	s8 =	sadd.s32 $0xFFFFE003, lr  }
0x1b: {  	s9 =	sadd.s32 $0xFFFFFEF7, lr;
	s5 =	simm.s32 $0xFFFFFFFF;
	p2 =	slt.u32 s8, $0xFFFFF086  }
0x1c: {  	p1 =	slt.u32 s9, $0xF7A;
	s5 =	simm.s32 @!p2 $0x0  }
0x1d: {  	s5 =	simm.s32 @p1 $0x1;
	p0 =	seq.s32 s7, s2  }
0x1e: {  	s7 =	smul.u32 @!p0 $0xF7A, s2;
	p2 =	seq.s32 @!p0 s5, $0x0  }
0x1f: {  	s9 =	smul.u32 $0xF7A, s1;
	s8 =	simm.s32 @!p0 $0x1BF5;
	p2 =	por !p2, p0  }
0x20: {  	[sflag:s8] =	ssyncset.s32 @!p0 $0xFFFFF086;
	s6 =	sadd.s32 @!p0 s3, s7;
	s7 =	simm.s32 @!p0 $0x108  }
0x21: {  	s3 =	sadd.s32 s3, s9;
	s6 =	sadd.s32 @!p0 $0x88, s6;
	s7 =	simm.s32 @p2 $0x1082  }
0x22: {  	[simem:s7], [sflag:s8] =	dma.local @!p0 [hbm:s6], $0xF7A  }
0x23: {  	s9 =	sor.u32 $0xD0000000, s2;
	s6 =	simm.s32 $0x108;
	_ =	swait.ge @!p0 [sflag:s8], $0x0  }
0x24: {  	s3 =	sadd.s32 $0x88, s3;
	s6 =	simm.s32 @!p1 $0x1082;
	[sflag:s4] =	ssyncset.s32 $0xFFFFF086  }
0x25: {  	[simem:s6], [sflag:s4] =	dma.local [hbm:s3], $0xF7A  }
0x26: {  	[smem:$0x3F9C] =	sst s1;
	(tag) =	ssettag s2;
	_ =	strace s9  }
0x27: {  	s1 =	sld [smem:$0x3FAC]  }
0x28: {  	s2 =	sld [smem:$0x3FAD]  }
0x29: {  	s4 =	sld [smem:$0x3FAF]  }
0x2a: {  	p0 =	seq.s32 s5, $0x0;
	s5 =	sld [smem:$0x3FB0]  }
0x2b: {  	s6 =	sld [smem:$0x3FB1]  }
0x2c: {  	s7 =	sld [smem:$0x3FB2]  }
0x2d: {  	s3 =	simm.s32 $0x108;
	s8 =	sld [smem:$0x3FB3]  }
0x2e: {  	s3 =	simm.s32 @!p0 $0x1082;
	s9 =	sld [smem:$0x3FB4]  }
0x2f: {  	lr =	sadd.s32 s0, s3;
	s0 =	sld [smem:$0x3FAB]  }
0x30: {  	s3 =	sld [smem:$0x3FAE]  }
0x31: {  	[smem:$0x3FB7] =	sst s10  }
0x32: {  	s10 =	sld [smem:$0x3FB5];
	_ =	sdelay $0x3  }
0x33: {  	p0 =	seq.s32 s10, $0x1;
	s10 =	sld [smem:$0x3FB7];
	_ =	sdelay $0x3  }
0x34: {  	[smem:$0x3FB7] =	sst s10  }
0x35: {  	s10 =	sld [smem:$0x3FB6];
	_ =	sdelay $0x3  }
0x36: {  	p1 =	seq.s32 s10, $0x1;
	s10 =	sld [smem:$0x3FB7];
	_ =	sdelay $0x3  }
0x37: {  	[smem:$0x3FB7] =	sst s10  }
0x38: {  	s10 =	sld [smem:$0x3FB8]  }
0x39: {  	_ = 	snop;
	(pc) =	sbr.ind lr, $3  }
0x3a: {  	_ = 	snop  }
0x3b: {  	_ = 	snop  }
0x3c: {  	p2 =	seq.s32 s10, $0x1;
	s10 =	sld [smem:$0x3FB7]  }
0x3d: {  	_ =	shalt  }
0x3e: {  	_ =	shalt  }
0x3f: {  	_ =	shalt  }
0x40: {  	_ =	shalt  }
0x41: {  	_ =	shalt  }
0x42: {  	_ =	shalt  }
0x43: {  	_ =	shalt  }
0x44: {  	_ =	shalt  }
0x45: {  	_ =	shalt  }
0x46: {  	_ =	shalt  }
0x47: {  	_ =	shalt  }
0x48: {  	_ =	shalt  }
0x49: {  	_ =	shalt  }
0x4a: {  	_ =	shalt  }
0x4b: {  	_ =	shalt  }
0x4c: {  	_ =	shalt  }
0x4d: {  	_ =	shalt  }
0x4e: {  	_ =	shalt  }
0x4f: {  	_ =	shalt  }
0x50: {  	_ =	shalt  }
0x51: {  	_ =	shalt  }
0x52: {  	_ =	shalt  }
0x53: {  	_ =	shalt  }
0x54: {  	_ =	shalt  }
0x55: {  	_ =	shalt  }
0x56: {  	_ =	shalt  }
0x57: {  	_ =	shalt  }
0x58: {  	_ =	shalt  }
0x59: {  	_ =	shalt  }
0x5a: {  	_ =	shalt  }
0x5b: {  	_ =	shalt  }
0x5c: {  	_ =	shalt  }
0x5d: {  	_ =	shalt  }
0x5e: {  	_ =	shalt  }
0x5f: {  	_ =	shalt  }
0x60: {  	_ =	shalt  }
0x61: {  	_ =	shalt  }
0x62: {  	_ =	shalt  }
0x63: {  	_ =	shalt  }
0x64: {  	_ =	shalt  }
0x65: {  	_ =	shalt  }
0x66: {  	_ =	shalt  }
0x67: {  	_ =	shalt  }
0x68: {  	_ =	shalt  }
0x69: {  	_ =	shalt  }
0x6a: {  	_ =	shalt  }
0x6b: {  	_ =	shalt  }
0x6c: {  	_ =	shalt  }
0x6d: {  	_ =	shalt  }
0x6e: {  	_ =	shalt  }
0x6f: {  	_ =	shalt  }
0x70: {  	_ =	shalt  }
0x71: {  	_ =	shalt  }
0x72: {  	_ =	shalt  }
0x73: {  	_ =	shalt  }
0x74: {  	_ =	shalt  }
0x75: {  	_ =	shalt  }
0x76: {  	_ =	shalt  }
0x77: {  	_ =	shalt  }
0x78: {  	_ =	shalt  }
0x79: {  	_ =	shalt  }
0x7a: {  	_ =	shalt  }
0x7b: {  	_ =	shalt  }
0x7c: {  	_ =	shalt  }
0x7d: {  	_ =	shalt  }
0x7e: {  	_ =	shalt  }
0x7f: {  	_ =	shalt  }
0x80: {  	_ =	shalt  }
0x81: {  	_ =	shalt  }
0x82: {  	_ =	shalt  }
0x83: {  	_ =	shalt  }
0x84: {  	_ =	shalt  }
0x85: {  	_ =	shalt  }
0x86: {  	_ =	shalt  }
0x87: {  	_ =	shalt  }
.Lfunc_end0:
.L_simem_size_0:
called_computation_lowered:
.L_overlay_start_0:
0x88: {  	s2 =	sld [smem:$0x3FD9]  }
0x89: {  	s3 =	sld [smem:$0x3FFE];
	_ =	sdelay $0x1  }
0x8a: {  	s1 =	srdreg.scid  }
0x8b: {  	s0 =	sand.u32 $0x1, s1  }
0x8c: {  	s17 =	sshll.u32 s0, $0xA;
	s2 =	sadd.s32 s3, s2  }
0x8d: {  	s2 =	sadd.s32 s2, s17  }
0x8e: {  	[smem:$0x3FC3] =	sst s2  }
0x8f: {  	_ = 	snop  }
0x90: {  	s2 =	sld [smem:$0x3FC9]  }
0x91: {  	s18 =	sld [smem:$0x3FC8]  }
0x92: {  	s4 =	sld [smem:$0x3FC6]  }
0x93: {  	s5 =	sld [smem:$0x3FD0];
	(tm) =	ssettm $0x1  }
0x94: {  	s6 =	sld [smem:$0x3FFB];
	_ =	sdelay $0x3  }
0x95: {  	_ =	strace s6  }
0x96: {  	s6 =	sld [smem:$0x3FFC];
	_ =	sdelay $0x3  }
0x97: {  	_ =	strace s6  }
0x98: {  	s6 =	sld [smem:$0x3FFD];
	_ =	sdelay $0x3  }
0x99: {  	_ =	strace s6  }
0x9a: {  	_ =	strace $0x8FFFFFFF  }
0x9b: {  	s19 =	sld [smem:$0x3FDB];
	_ =	sdelay $0x1  }
0x9c: {  	s7 =	simm.s32 $_scs_section_size  }
0x9d: {  	s8 =	simm.s32 $_size__tile_overlayer_lowered;
	s9 =	simm.s32 $_tile_overlayer_lowered  }
0x9e: {  	s22 =	simm.s32 $0x1BFF;
	s21 =	sshll.u32 s9, $0x1;
	s6 =	sadd.s32 s7, s19  }
0x9f: {  	s10 =	simm.s32 $0x0;
	s20 =	sshll.u32 s8, $0x1;
	s8 =	sadd.s32 s21, s6  }
0xa0: {  	[timem:s10], [sflag:s22] =	dma.local [hbm:s8], s20  }
0xa1: {  	_ =	swait.ge [sflag:s22], s20  }
0xa2: {  	s7 =	ssub.s32 $0x0, s20;
	[sflag:s22] =	ssyncset.done $0x0  }
0xa3: {  	[sflag:s22] =	ssyncadd.s32 s7;
	_ =	sdelay $0x1  }
0xa4: {  	s23 =	simm.s32 $0x1B8B  }
0xa5: {  	_ =	swait.ge [sflag:s23], $0x1  }
0xa6: {  	[sflag:s23] =	ssyncset.done $0x0  }
0xa7: {  	s25 =	simm.s32 $0x1B8E;
	s24 =	sld [smem:$0x3FFE];
	[sflag:s23] =	ssyncadd.s32 $0xFFFFFFFF  }
0xa8: {  	s26 =	simm.s32 $execute0_lowered;
	[smem:$0x3FD2] =	sst s25  }
0xa9: {  	s8 =	sshll.u32 s26, $0x1;
	_ =	strace $0x80000046;
	[dreg:$0x1] =	wrdreg $0xFFFFFFFF  }
0xaa: {  	s28 =	simm.s32 $_size_execute0_lowered;
	s6 =	sadd.s32 s6, s8;
	[dreg:$0x0] =	wrdreg $0x0  }
0xab: {  	s8 =	sshll.u32 s28, $0x1;
	[dreg:$0x2] =	wrdreg s6  }
0xac: {  	[dreg:$0x3] =	wrdreg s8  }
0xad: {  	[dreg:$0x4] =	wrdreg $0xC0  }
0xae: {  	_ =	task [dreg:s10], $0x5FFFF  }
0xaf: {  	[dreg:$0x1] =	wrdreg $0xFFFFFFFF  }
0xb0: {  	[dreg:$0x0] =	wrdreg $0x60  }
0xb1: {  	[dreg:$0x2] =	wrdreg s2  }
0xb2: {  	[dreg:$0x3] =	wrdreg s18  }
0xb3: {  	[dreg:$0x4] =	wrdreg s4  }
0xb4: {  	[dreg:$0x5] =	wrdreg s24  }
0xb5: {  	[dreg:$0x6] =	wrdreg s5  }
0xb6: {  	[dreg:$0x7] =	wrdreg $0x9  }
0xb7: {  	_ =	task.clear_ibuf [dreg:s10], $0x8FFFF;
	_ =	strace $0x90000046  }
0xb8: {  	s29 =	simm.s32 $0x9;
	_ =	strace $0x80000048  }
0xb9: {  	_ =	swait.ge [sflag:s29], $0x1  }
0xba: {  	[sflag:s29] =	ssyncadd.s32 $0xFFFFFFFF  }
0xbb: {  	_ =	strace $0x90000048  }
0xbc: {  	_ =	sfence  }
0xbd: {  	s30 =	sld [smem:$0x0];
	_ =	sdelay $0x2  }
0xbe: {  	s31 =	sshll.u32 s1, $0xD;
	s1 =	sshrl.u32 s1, $0x2  }
0xbf: {  	s3 =	sand.u32 $0x4000, s31;
	s1 =	sadd.s32 s1, s30  }
0xc0: {  	s0 =	sor.u32 s3, s0;
	s1 =	sshll.u32 s1, $0x11  }
0xc1: {  	s0 =	sor.u32 s1, s0  }
0xc2: {  	s0 =	sadd.s32 $0x8F2B, s0  }
0xc3: {  	[sflag:s0] =	ssyncadd.remote.s32 $0x1  }
0xc4: {  	_ =	sfence.sel $0xFFFF  }
0xc5: {  	[dreg:$0x0] =	wrdreg $0xFFFFFFFF;
	(pc) =	sbr.abs _section_cstart, $3  }
0xc6: {  	[dreg:$0x1] =	wrdreg $0xFFFFFFFF  }
0xc7: {  	_ =	task.clear_ibuf [dreg:s10], $0x2FFFF;
	_ =	strace $0x9FFFFFFF  }
0xc8: {  	(tm) =	ssettm $0x7FFFFFFF  }
0xc9: {  	_ =	shalt  }
tec
execute0_lowered:
.L_overlay_start_1:
0x0: {  	(tag) =	ssettag $0x1  }
0x1: {  	s0 =	rddreg [dreg:$0x0]  }
0x2: {  	s1 =	rddreg [dreg:$0x1]  }
0x3: {  	s2 =	rddreg [dreg:$0x2]  }
0x4: {  	s3 =	rddreg [dreg:$0x3]  }
0x5: {  	s9 =	rddreg [dreg:$0x4]  }
0x6: {  	s4 =	simm.s32 $0x0;
	s5 =	srdreg.scid;
	s6 =	stileid.u32  }
0x7: {  	s13 =	simm.s32 $0x80;
	s14 =	simm.s32 $0x400;
	s15 =	simm.s32 $0xC400  }
0x8: {  	s16 =	simm.s32 $0x100;
	s18 =	simm.s32 $0x180;
	s20 =	simm.s32 $0x200  }
0x9: {  	s22 =	simm.s32 $0x280;
	s24 =	simm.s32 $0x1;
	s25 =	simm.s32 $0x300  }
0xa: {  	s28 =	simm.s32 $0x18400;
	s29 =	simm.s32 $0x18600;
	s19 =	simm.s32 $0x18780  }
0xb: {  	s21 =	simm.s32 $0x2;
	s23 =	simm.s32 $0x3;
	s30 =	simm.s32 $0x18800  }
0xc: {  	s31 =	simm.s32 $0x4;
	[smem:$0x7FF] =	sst s4;
	s7 =	sand.u32 $0x1, s5  }
0xd: {  	s6 =	sshll.u32 s6, $0x1;
	s5 =	sadd.s32 $0x400, s3;
	_ =	strace $0x80000047  }
0xe: {  	s8 =	sor.u32 s7, s6;
	s6 =	sadd.s32 $0x3600, s3;
	s7 =	ssub.s32 $0x2, s7  }
0xf: {  	s10 =	sshll.u32 s8, $0x4;
	s11 =	sshll.u32 s8, $0x6;
	s12 =	sshrl.u32 s7, $0x1  }
0x10: {  	s26 =	sshll.u32 s8, $0x7;
	s10 =	sadd.s32 s10, s3;
	s3 =	sadd.s32 s11, s3  }
0x11: {  	s12 =	ssub.s32 s7, s12;
	s7 =	sadd.s32 s0, s26;
	s9 =	sadd.s32 s9, s11  }
0x12: {  	s26 =	simm.s32 $0x380;
	s0 =	simm.s32 $0x0;
	s8 =	sadd.s32 $0x7000, s10  }
0x13: {  	s10 =	sadd.s32 $0x6800, s3;
	s11 =	smax.u32 s12, $0x1;
	s12 =	simm.s32 $0x5  }
.LBB2_1:
0x14: {  	[tilespmem:s4], [sflag:$0x5] =	stream.linear.gather [hbm4b:s7+s4], $0x400, $0x38;
	[tilespmem:$0x18880] =	vst v63  }
0x15: {  	_ =	swait.ge [sflag:s12], $0x400  }
0x16: {  	[sflag:s12] =	ssyncset.done $0x0  }
0x17: {  	[sflag:s12] =	ssyncadd.s32 $0xFFFFFC00  }
0x18: {  	[tilespmem:s14], [sflag:$0x1] =	stream.indirect.gather [hbm4b:s1+s13], $0x80, s4, s13, $0xb8;
	[tilespmem:$0x18880] =	vst v63  }
0x19: {  	_ = 	snop  }
0x1a: {  	[tilespmem:s15], [sflag:$0x1] =	stream.indirect.gather [hbm4b:s2+s13], $0x80, s13, s13, $0xb8;
	[tilespmem:$0x18880] =	vst v63  }
0x1b: {  	s3 =	simm.s32 $0x4400  }
0x1c: {  	[tilespmem:s3], [sflag:$0x2] =	stream.indirect.gather [hbm4b:s1+s13], $0x80, s16, s13, $0xb8;
	[tilespmem:$0x18880] =	vst v63  }
0x1d: {  	s17 =	simm.s32 $0x10400  }
0x1e: {  	[tilespmem:s17], [sflag:$0x2] =	stream.indirect.gather [hbm4b:s2+s13], $0x80, s18, s13, $0xb8;
	[tilespmem:$0x18880] =	vst v63  }
0x1f: {  	s17 =	simm.s32 $0x8400  }
0x20: {  	[tilespmem:s17], [sflag:$0x3] =	stream.indirect.gather [hbm4b:s1+s13], $0x80, s20, s13, $0xb8;
	[tilespmem:$0x18880] =	vst v63  }
0x21: {  	s17 =	simm.s32 $0x14400  }
0x22: {  	[tilespmem:s17], [sflag:$0x3] =	stream.indirect.gather [hbm4b:s2+s13], $0x80, s22, s13, $0xb8;
	[tilespmem:$0x18880] =	vst v63  }
0x23: {  	_ =	swait.ge [sflag:s24], $0x4000  }
0x24: {  	[sflag:s24] =	ssyncset.done $0x0  }
0x25: {  	[sflag:s24] =	ssyncadd.s32 $0xFFFFC000  }
0x26: {  	_ =	swait.ge [sflag:s24], $0x4000  }
0x27: {  	[sflag:s24] =	ssyncset.done $0x0  }
0x28: {  	s17 =	simm.s32 $0x0;
	[sflag:s24] =	ssyncadd.s32 $0xFFFFC000  }
0x29: {  	v0 =	vld [tilespmem:s17+$0x470]  }
0x2a: {  	v1 =	vld [tilespmem:s17+$0xC470]  }
0x2b: {  	v2 =	vld [tilespmem:s17+$0x400]  }
0x2c: {  	v3 =	vld [tilespmem:s17+$0xC400]  }
0x2d: {  	v5 =	vld [tilespmem:s17+$0x410]  }
0x2e: {  	v6 =	vld [tilespmem:s17+$0xC410]  }
0x2f: {  	v7 =	vld [tilespmem:s17+$0x420]  }
0x30: {  	v9 =	vld [tilespmem:s17+$0xC420]  }
0x31: {  	v10 =	vld [tilespmem:s17+$0x430]  }
0x32: {  	v11 =	vld [tilespmem:s17+$0xC430]  }
0x33: {  	v13 =	vld [tilespmem:s17+$0x440]  }
0x34: {  	v14 =	vld [tilespmem:s17+$0xC440]  }
0x35: {  	v0 =	vmul.f32 v1, v0  }
0x36: {  	v4 =	vimm.f32 $0.0e+00;
	v8 =	vld [tilespmem:s17+$0x450];
	v1 =	vmul.f32 v3, v2;
	v2 =	vmul.f32 v6, v5  }
0x37: {  	v6 =	vmul.f32 v11, v10;
	v3 =	vadd.f32 v0, v4;
	v0 =	vmul.f32 v9, v7;
	v9 =	vld [tilespmem:s17+$0xC450]  }
0x38: {  	v12 =	vld [tilespmem:s17+$0xC460];
	v5 =	vadd.f32 v1, v4  }
0x39: {  	s3 =	simm.s32 $0x80;
	v10 =	vld [tilespmem:s17+$0x460];
	v13 =	vmul.f32 v14, v13;
	v1 =	vadd.f32 v2, v4;
	v2 =	vadd.f32 v6, v4  }
0x3a: {  	v11 =	vld [tilespmem:s3+$0x470];
	s17 =	simm.s32 $0x400;
	v7 =	vimm.f32 $0.0e+00;
	v6 =	vimm.f32 $0.0e+00;
	v0 =	vadd.f32 v0, v4  }
.LBB2_2:
0x3b: {  	p0 =	sne.s32 s17, $0xFE00;
	v14 =	vld [tilespmem:s3+$0xC470]  }
0x3c: {  	v15 =	vld [tilespmem:s3+$0x400];
	v4 =	vadd.f32 v13, v4;
	v8 =	vmul.f32 v9, v8  }
0x3d: {  	v9 =	vld [tilespmem:s3+$0xC400]  }
0x3e: {  	v13 =	vld [tilespmem:s3+$0x410];
	v7 =	vadd.f32 v8, v7;
	v8 =	vmul.f32 v12, v10  }
0x3f: {  	v10 =	vld [tilespmem:s3+$0xC410]  }
0x40: {  	v12 =	vld [tilespmem:s3+$0x420];
	v11 =	vmul.f32 v14, v11;
	v6 =	vadd.f32 v8, v6  }
0x41: {  	v8 =	vld [tilespmem:s3+$0xC420]  }
0x42: {  	v9 =	vmul.f32 v9, v15;
	v14 =	vld [tilespmem:s3+$0x430];
	v3 =	vadd.f32 v11, v3  }
0x43: {  	v11 =	vld [tilespmem:s3+$0xC430]  }
0x44: {  	v5 =	vadd.f32 v9, v5;
	v9 =	vmul.f32 v10, v13;
	v13 =	vld [tilespmem:s3+$0x440]  }
0x45: {  	v15 =	vld [tilespmem:s3+$0xC440]  }
.Ltmp0:
0x46: {  	v1 =	vadd.f32 v9, v1;
	v10 =	vmul.f32 v8, v12;
	v8 =	vld [tilespmem:s3+$0x450];
	(pc) =	sbr.rel @p0 .LBB2_2-.Ltmp0, $4  }
0x47: {  	v9 =	vld [tilespmem:s3+$0xC450]  }
0x48: {  	v0 =	vadd.f32 v10, v0;
	v14 =	vmul.f32 v11, v14;
	v10 =	vld [tilespmem:s3+$0x460]  }
0x49: {  	v12 =	vld [tilespmem:s3+$0xC460];
	s3 =	sshra.s32 s17, $0x2  }
0x4a: {  	s17 =	sadd.s32 $0x200, s17;
	v11 =	vld [tilespmem:s3+$0x470];
	v2 =	vadd.f32 v14, v2;
	v13 =	vmul.f32 v15, v13  }
0x4b: {  	v14 =	vld [tilespmem:s3+$0xC470]  }
0x4c: {  	v15 =	vld [tilespmem:s3+$0x400]  }
0x4d: {  	v16 =	vld [tilespmem:s3+$0xC400]  }
0x4e: {  	v17 =	vld [tilespmem:s3+$0x410]  }
0x4f: {  	v18 =	vld [tilespmem:s3+$0xC410]  }
0x50: {  	v19 =	vld [tilespmem:s3+$0x420]  }
0x51: {  	v20 =	vld [tilespmem:s3+$0xC420]  }
0x52: {  	v21 =	vld [tilespmem:s3+$0x430]  }
0x53: {  	v22 =	vld [tilespmem:s3+$0xC430]  }
0x54: {  	v23 =	vld [tilespmem:s3+$0x440]  }
0x55: {  	v24 =	vld [tilespmem:s3+$0xC440]  }
0x56: {  	v25 =	vld [tilespmem:s3+$0x450]  }
0x57: {  	v26 =	vld [tilespmem:s3+$0xC450]  }
0x58: {  	v27 =	vld [tilespmem:s3+$0x460]  }
0x59: {  	v28 =	vld [tilespmem:s3+$0xC460];
	[tilespmem:s14], [sflag:$0x1] =	stream.indirect.gather [hbm4b:s1+s13], $0x80, s25, s13, $0xb8  }
0x5a: {  	_ = 	snop  }
0x5b: {  	[tilespmem:s15], [sflag:$0x1] =	stream.indirect.gather [hbm4b:s2+s13], $0x80, s26, s13, $0xb8;
	[tilespmem:$0x18880] =	vst v63  }
0x5c: {  	s17 =	simm.s32 $0x0  }
0x5d: {  	[tilespmem:s28], [sflag:$0x4] =	stream.indirect.gather [hbm4b:s5+s13], $0x1, s17, s13, $0xb8;
	[tilespmem:$0x18880] =	vst v63  }
0x5e: {  	_ = 	snop  }
0x5f: {  	[tilespmem:s29], [sflag:$0x4] =	stream.indirect.gather [hbm4b:s6+s13], $0x1, s13, s13, $0xb8;
	[tilespmem:$0x18880] =	vst v63  }
0x60: {  	s17 =	simm.s32 $0x18480  }
0x61: {  	[tilespmem:s17], [sflag:$0x4] =	stream.indirect.gather [hbm4b:s5+s13], $0x1, s16, s13, $0xb8;
	[tilespmem:$0x18880] =	vst v63  }
0x62: {  	s17 =	simm.s32 $0x18680  }
0x63: {  	[tilespmem:s17], [sflag:$0x4] =	stream.indirect.gather [hbm4b:s6+s13], $0x1, s18, s13, $0xb8;
	[tilespmem:$0x18880] =	vst v63  }
0x64: {  	s17 =	simm.s32 $0x18500  }
0x65: {  	[tilespmem:s17], [sflag:$0x4] =	stream.indirect.gather [hbm4b:s5+s13], $0x1, s20, s13, $0xb8;
	[tilespmem:$0x18880] =	vst v63  }
0x66: {  	s17 =	simm.s32 $0x18700  }
0x67: {  	[tilespmem:s17], [sflag:$0x4] =	stream.indirect.gather [hbm4b:s6+s13], $0x1, s22, s13, $0xb8;
	[tilespmem:$0x18880] =	vst v63  }
0x68: {  	s17 =	simm.s32 $0x18580  }
0x69: {  	[tilespmem:s17], [sflag:$0x4] =	stream.indirect.gather [hbm4b:s5+s13], $0x1, s25, s13, $0xb8;
	[tilespmem:$0x18880] =	vst v63  }
0x6a: {  	_ = 	snop  }
0x6b: {  	[tilespmem:s19], [sflag:$0x4] =	stream.indirect.gather [hbm4b:s6+s13], $0x1, s26, s13, $0xb8;
	[tilespmem:$0x18880] =	vst v63  }
0x6c: {  	_ =	swait.ge [sflag:s21], $0x4000  }
0x6d: {  	[sflag:s21] =	ssyncset.done $0x0  }
0x6e: {  	[sflag:s21] =	ssyncadd.s32 $0xFFFFC000  }
0x6f: {  	_ =	swait.ge [sflag:s21], $0x4000  }
0x70: {  	[sflag:s21] =	ssyncset.done $0x0  }
0x71: {  	s17 =	simm.s32 $0x0;
	[sflag:s21] =	ssyncadd.s32 $0xFFFFC000  }
0x72: {  	v29 =	vld [tilespmem:s17+$0x4470]  }
0x73: {  	v30 =	vld [tilespmem:s17+$0x10470]  }
0x74: {  	v31 =	vld [tilespmem:s17+$0x4400]  }
0x75: {  	v32 =	vld [tilespmem:s17+$0x10400]  }
0x76: {  	v33 =	vld [tilespmem:s17+$0x4410]  }
0x77: {  	v8 =	vmul.f32 v9, v8;
	v9 =	vld [tilespmem:s17+$0x10410]  }
0x78: {  	v10 =	vmul.f32 v12, v10;
	v11 =	vmul.f32 v14, v11;
	v12 =	vld [tilespmem:s17+$0x4420]  }
0x79: {  	v4 =	vadd.f32 v13, v4;
	v7 =	vadd.f32 v8, v7;
	v8 =	vmul.f32 v16, v15;
	v13 =	vld [tilespmem:s17+$0x10420]  }
0x7a: {  	v6 =	vadd.f32 v10, v6;
	v10 =	vmul.f32 v18, v17;
	v3 =	vadd.f32 v11, v3;
	v11 =	vld [tilespmem:s17+$0x4430]  }
0x7b: {  	v14 =	vmul.f32 v22, v21;
	v5 =	vadd.f32 v8, v5;
	v8 =	vmul.f32 v20, v19;
	v15 =	vld [tilespmem:s17+$0x10430]  }
0x7c: {  	v59 =	vadd.f32 v10, v1;
	v1 =	vmul.f32 v24, v23;
	v10 =	vmul.f32 v26, v25;
	v60 =	vld [tilespmem:s17+$0x4440]  }
0x7d: {  	v14 =	vadd.f32 v14, v2;
	v2 =	vmul.f32 v28, v27;
	v61 =	vadd.f32 v8, v0;
	v62 =	vld [tilespmem:s17+$0x10440]  }
0x7e: {  	v0 =	vadd.f32 v1, v4;
	v1 =	vadd.f32 v10, v7;
	v8 =	vld [tilespmem:s17+$0x4450];
	v4 =	vmul.f32 v30, v29  }
0x7f: {  	v2 =	vadd.f32 v2, v6;
	v7 =	vmul.f32 v32, v31;
	v63 =	vmul.f32 v9, v33;
	v9 =	vld [tilespmem:s17+$0x10450]  }
0x80: {  	v10 =	vld [tilespmem:s17+$0x4460];
	v6 =	vadd.f32 v4, v3;
	v3 =	vmul.f32 v13, v12;
	v13 =	vmul.f32 v15, v11  }
0x81: {  	s3 =	simm.s32 $0x80;
	v7 =	vadd.f32 v7, v5;
	v4 =	vadd.f32 v63, v59;
	v12 =	vld [tilespmem:s17+$0x10460]  }
0x82: {  	v11 =	vld [tilespmem:s3+$0x4470];
	s17 =	simm.s32 $0x400;
	v3 =	vadd.f32 v3, v61;
	v5 =	vadd.f32 v13, v14;
	v13 =	vmul.f32 v62, v60  }
.LBB2_4:
0x83: {  	p0 =	sne.s32 s17, $0xFE00;
	v14 =	vld [tilespmem:s3+$0x10470]  }
0x84: {  	v15 =	vld [tilespmem:s3+$0x4400];
	v0 =	vadd.f32 v13, v0;
	v8 =	vmul.f32 v9, v8  }
0x85: {  	v9 =	vld [tilespmem:s3+$0x10400]  }
0x86: {  	v13 =	vld [tilespmem:s3+$0x4410];
	v1 =	vadd.f32 v8, v1;
	v8 =	vmul.f32 v12, v10  }
0x87: {  	v10 =	vld [tilespmem:s3+$0x10410]  }
0x88: {  	v12 =	vld [tilespmem:s3+$0x4420];
	v11 =	vmul.f32 v14, v11;
	v2 =	vadd.f32 v8, v2  }
0x89: {  	v8 =	vld [tilespmem:s3+$0x10420]  }
0x8a: {  	v9 =	vmul.f32 v9, v15;
	v14 =	vld [tilespmem:s3+$0x4430];
	v6 =	vadd.f32 v11, v6  }
0x8b: {  	v11 =	vld [tilespmem:s3+$0x10430]  }
0x8c: {  	v7 =	vadd.f32 v9, v7;
	v9 =	vmul.f32 v10, v13;
	v13 =	vld [tilespmem:s3+$0x4440]  }
0x8d: {  	v15 =	vld [tilespmem:s3+$0x10440]  }
.Ltmp1:
0x8e: {  	v4 =	vadd.f32 v9, v4;
	v10 =	vmul.f32 v8, v12;
	v8 =	vld [tilespmem:s3+$0x4450];
	(pc) =	sbr.rel @p0 .LBB2_4-.Ltmp1, $4  }
0x8f: {  	v9 =	vld [tilespmem:s3+$0x10450]  }
0x90: {  	v3 =	vadd.f32 v10, v3;
	v14 =	vmul.f32 v11, v14;
	v10 =	vld [tilespmem:s3+$0x4460]  }
0x91: {  	v12 =	vld [tilespmem:s3+$0x10460];
	s3 =	sshra.s32 s17, $0x2  }
0x92: {  	s17 =	sadd.s32 $0x200, s17;
	v11 =	vld [tilespmem:s3+$0x4470];
	v5 =	vadd.f32 v14, v5;
	v13 =	vmul.f32 v15, v13  }
0x93: {  	v14 =	vld [tilespmem:s3+$0x10470]  }
0x94: {  	v15 =	vld [tilespmem:s3+$0x4400]  }
0x95: {  	v16 =	vld [tilespmem:s3+$0x10400]  }
0x96: {  	v17 =	vld [tilespmem:s3+$0x4410]  }
0x97: {  	v18 =	vld [tilespmem:s3+$0x10410]  }
0x98: {  	v19 =	vld [tilespmem:s3+$0x4420]  }
0x99: {  	v20 =	vld [tilespmem:s3+$0x10420]  }
0x9a: {  	v21 =	vld [tilespmem:s3+$0x4430]  }
0x9b: {  	v22 =	vld [tilespmem:s3+$0x10430]  }
0x9c: {  	v23 =	vld [tilespmem:s3+$0x4440]  }
0x9d: {  	v24 =	vld [tilespmem:s3+$0x10440]  }
0x9e: {  	v25 =	vld [tilespmem:s3+$0x4450]  }
0x9f: {  	v26 =	vld [tilespmem:s3+$0x10450]  }
0xa0: {  	v27 =	vld [tilespmem:s3+$0x4460]  }
0xa1: {  	v28 =	vld [tilespmem:s3+$0x10460];
	_ =	swait.ge [sflag:s23], $0x4000  }
0xa2: {  	[sflag:s23] =	ssyncset.done $0x0  }
0xa3: {  	[sflag:s23] =	ssyncadd.s32 $0xFFFFC000  }
0xa4: {  	_ =	swait.ge [sflag:s23], $0x4000  }
0xa5: {  	[sflag:s23] =	ssyncset.done $0x0  }
0xa6: {  	s17 =	simm.s32 $0x0;
	[sflag:s23] =	ssyncadd.s32 $0xFFFFC000  }
0xa7: {  	v29 =	vld [tilespmem:s17+$0x8470]  }
0xa8: {  	v30 =	vld [tilespmem:s17+$0x14470]  }
0xa9: {  	v31 =	vld [tilespmem:s17+$0x8400]  }
0xaa: {  	v32 =	vld [tilespmem:s17+$0x14400]  }
0xab: {  	v33 =	vld [tilespmem:s17+$0x8410]  }
0xac: {  	v8 =	vmul.f32 v9, v8;
	v9 =	vld [tilespmem:s17+$0x14410]  }
0xad: {  	v0 =	vadd.f32 v13, v0;
	v10 =	vmul.f32 v12, v10;
	v12 =	vld [tilespmem:s17+$0x8420]  }
0xae: {  	v1 =	vadd.f32 v8, v1;
	v11 =	vmul.f32 v14, v11;
	v8 =	vmul.f32 v16, v15;
	v13 =	vld [tilespmem:s17+$0x14420]  }
0xaf: {  	v2 =	vadd.f32 v10, v2;
	v10 =	vmul.f32 v18, v17;
	v14 =	vmul.f32 v22, v21;
	v15 =	vld [tilespmem:s17+$0x14430]  }
0xb0: {  	v60 =	vmul.f32 v26, v25;
	v6 =	vadd.f32 v11, v6;
	v11 =	vld [tilespmem:s17+$0x8430];
	v7 =	vadd.f32 v8, v7  }
0xb1: {  	v61 =	vld [tilespmem:s17+$0x8440];
	v8 =	vmul.f32 v20, v19;
	v4 =	vadd.f32 v10, v4;
	v10 =	vmul.f32 v24, v23  }
0xb2: {  	v62 =	vld [tilespmem:s17+$0x14440];
	v5 =	vadd.f32 v14, v5;
	v14 =	vmul.f32 v28, v27;
	v1 =	vadd.f32 v60, v1  }
0xb3: {  	v3 =	vadd.f32 v8, v3;
	v0 =	vadd.f32 v10, v0;
	v8 =	vld [tilespmem:s17+$0x8450];
	v10 =	vmul.f32 v30, v29  }
0xb4: {  	v2 =	vadd.f32 v14, v2;
	v14 =	vmul.f32 v32, v31;
	v63 =	vmul.f32 v9, v33;
	v9 =	vld [tilespmem:s17+$0x14450]  }
0xb5: {  	v13 =	vmul.f32 v13, v12;
	v12 =	vld [tilespmem:s17+$0x14460];
	v15 =	vmul.f32 v15, v11;
	v6 =	vadd.f32 v10, v6  }
0xb6: {  	s3 =	simm.s32 $0x80;
	v10 =	vld [tilespmem:s17+$0x8460];
	v7 =	vadd.f32 v14, v7;
	v4 =	vadd.f32 v63, v4  }
0xb7: {  	v11 =	vld [tilespmem:s3+$0x8470];
	v3 =	vadd.f32 v13, v3;
	s17 =	simm.s32 $0x400;
	v13 =	vmul.f32 v62, v61;
	v5 =	vadd.f32 v15, v5  }
.LBB2_6:
0xb8: {  	p0 =	sne.s32 s17, $0xFE00;
	v14 =	vld [tilespmem:s3+$0x14470]  }
0xb9: {  	v15 =	vld [tilespmem:s3+$0x8400];
	v0 =	vadd.f32 v13, v0;
	v8 =	vmul.f32 v9, v8  }
0xba: {  	v9 =	vld [tilespmem:s3+$0x14400]  }
0xbb: {  	v13 =	vld [tilespmem:s3+$0x8410];
	v1 =	vadd.f32 v8, v1;
	v8 =	vmul.f32 v12, v10  }
0xbc: {  	v10 =	vld [tilespmem:s3+$0x14410]  }
0xbd: {  	v12 =	vld [tilespmem:s3+$0x8420];
	v11 =	vmul.f32 v14, v11;
	v2 =	vadd.f32 v8, v2  }
0xbe: {  	v8 =	vld [tilespmem:s3+$0x14420]  }
0xbf: {  	v9 =	vmul.f32 v9, v15;
	v14 =	vld [tilespmem:s3+$0x8430];
	v6 =	vadd.f32 v11, v6  }
0xc0: {  	v11 =	vld [tilespmem:s3+$0x14430]  }
0xc1: {  	v7 =	vadd.f32 v9, v7;
	v9 =	vmul.f32 v10, v13;
	v13 =	vld [tilespmem:s3+$0x8440]  }
0xc2: {  	v15 =	vld [tilespmem:s3+$0x14440]  }
.Ltmp2:
0xc3: {  	v4 =	vadd.f32 v9, v4;
	v10 =	vmul.f32 v8, v12;
	v8 =	vld [tilespmem:s3+$0x8450];
	(pc) =	sbr.rel @p0 .LBB2_6-.Ltmp2, $4  }
0xc4: {  	v9 =	vld [tilespmem:s3+$0x14450]  }
0xc5: {  	v3 =	vadd.f32 v10, v3;
	v14 =	vmul.f32 v11, v14;
	v10 =	vld [tilespmem:s3+$0x8460]  }
0xc6: {  	v12 =	vld [tilespmem:s3+$0x14460];
	s3 =	sshra.s32 s17, $0x2  }
0xc7: {  	s17 =	sadd.s32 $0x200, s17;
	v11 =	vld [tilespmem:s3+$0x8470];
	v5 =	vadd.f32 v14, v5;
	v13 =	vmul.f32 v15, v13  }
0xc8: {  	v14 =	vld [tilespmem:s3+$0x14470]  }
0xc9: {  	v15 =	vld [tilespmem:s3+$0x8400]  }
0xca: {  	v16 =	vld [tilespmem:s3+$0x14400]  }
0xcb: {  	v17 =	vld [tilespmem:s3+$0x8410]  }
0xcc: {  	v18 =	vld [tilespmem:s3+$0x14410]  }
0xcd: {  	v19 =	vld [tilespmem:s3+$0x8420]  }
0xce: {  	v20 =	vld [tilespmem:s3+$0x14420]  }
0xcf: {  	v21 =	vld [tilespmem:s3+$0x8430]  }
0xd0: {  	v22 =	vld [tilespmem:s3+$0x14430]  }
0xd1: {  	v23 =	vld [tilespmem:s3+$0x8440]  }
0xd2: {  	v24 =	vld [tilespmem:s3+$0x14440]  }
0xd3: {  	v25 =	vld [tilespmem:s3+$0x8450]  }
0xd4: {  	v26 =	vld [tilespmem:s3+$0x14450]  }
0xd5: {  	v27 =	vld [tilespmem:s3+$0x8460]  }
0xd6: {  	v28 =	vld [tilespmem:s3+$0x14460];
	_ =	swait.ge [sflag:s24], $0x4000  }
0xd7: {  	[sflag:s24] =	ssyncset.done $0x0  }
0xd8: {  	[sflag:s24] =	ssyncadd.s32 $0xFFFFC000  }
0xd9: {  	_ =	swait.ge [sflag:s24], $0x4000  }
0xda: {  	[sflag:s24] =	ssyncset.done $0x0  }
0xdb: {  	s17 =	simm.s32 $0x0;
	[sflag:s24] =	ssyncadd.s32 $0xFFFFC000  }
0xdc: {  	v29 =	vld [tilespmem:s17+$0x470]  }
0xdd: {  	v30 =	vld [tilespmem:s17+$0xC470]  }
0xde: {  	v31 =	vld [tilespmem:s17+$0x400]  }
0xdf: {  	v32 =	vld [tilespmem:s17+$0xC400]  }
0xe0: {  	v33 =	vld [tilespmem:s17+$0x410]  }
0xe1: {  	v8 =	vmul.f32 v9, v8;
	v34 =	vld [tilespmem:s17+$0xC410]  }
0xe2: {  	v0 =	vadd.f32 v13, v0;
	v9 =	vmul.f32 v12, v10;
	v12 =	vld [tilespmem:s17+$0x420]  }
0xe3: {  	v1 =	vadd.f32 v8, v1;
	v10 =	vmul.f32 v14, v11;
	v8 =	vmul.f32 v16, v15;
	v13 =	vld [tilespmem:s17+$0xC420]  }
0xe4: {  	v11 =	vadd.f32 v9, v2;
	v2 =	vmul.f32 v18, v17;
	v9 =	vmul.f32 v22, v21;
	v14 =	vld [tilespmem:s17+$0xC430]  }
0xe5: {  	v6 =	vadd.f32 v10, v6;
	v10 =	vld [tilespmem:s17+$0x430];
	v7 =	vadd.f32 v8, v7;
	v8 =	vmul.f32 v20, v19  }
0xe6: {  	v15 =	vmul.f32 v26, v25;
	v61 =	vld [tilespmem:s17+$0x440];
	v4 =	vadd.f32 v2, v4;
	v2 =	vmul.f32 v24, v23  }
0xe7: {  	v63 =	vld [tilespmem:s17+$0xC440];
	v62 =	vadd.f32 v9, v5;
	v5 =	vmul.f32 v28, v27;
	v8 =	vadd.f32 v8, v3  }
0xe8: {  	v9 =	vld [tilespmem:s17+$0x450];
	v3 =	vadd.f32 v2, v0;
	v2 =	vadd.f32 v15, v1;
	v0 =	vmul.f32 v30, v29  }
0xe9: {  	v1 =	vadd.f32 v5, v11;
	v11 =	vld [tilespmem:s17+$0xC450];
	v5 =	vmul.f32 v32, v31;
	v15 =	vmul.f32 v34, v33  }
0xea: {  	v13 =	vmul.f32 v13, v12;
	v12 =	vld [tilespmem:s17+$0xC460];
	v14 =	vmul.f32 v14, v10;
	v0 =	vadd.f32 v0, v6  }
0xeb: {  	s3 =	simm.s32 $0x80;
	v10 =	vld [tilespmem:s17+$0x460];
	v6 =	vadd.f32 v5, v7;
	v7 =	vadd.f32 v15, v4  }
0xec: {  	s17 =	simm.s32 $0x400;
	v5 =	vadd.f32 v13, v8;
	v8 =	vld [tilespmem:s3+$0x470];
	v13 =	vmul.f32 v63, v61;
	v4 =	vadd.f32 v14, v62  }
.LBB2_8:
0xed: {  	p0 =	sne.s32 s17, $0xFE00;
	v14 =	vld [tilespmem:s3+$0xC470]  }
0xee: {  	v15 =	vld [tilespmem:s3+$0x400];
	v3 =	vadd.f32 v13, v3;
	v9 =	vmul.f32 v11, v9  }
0xef: {  	v11 =	vld [tilespmem:s3+$0xC400]  }
0xf0: {  	v13 =	vld [tilespmem:s3+$0x410];
	v2 =	vadd.f32 v9, v2;
	v9 =	vmul.f32 v12, v10  }
0xf1: {  	v10 =	vld [tilespmem:s3+$0xC410]  }
0xf2: {  	v12 =	vld [tilespmem:s3+$0x420];
	v8 =	vmul.f32 v14, v8;
	v1 =	vadd.f32 v9, v1  }
0xf3: {  	v9 =	vld [tilespmem:s3+$0xC420]  }
0xf4: {  	v11 =	vmul.f32 v11, v15;
	v14 =	vld [tilespmem:s3+$0x430];
	v0 =	vadd.f32 v8, v0  }
0xf5: {  	v8 =	vld [tilespmem:s3+$0xC430]  }
0xf6: {  	v6 =	vadd.f32 v11, v6;
	v10 =	vmul.f32 v10, v13;
	v13 =	vld [tilespmem:s3+$0x440]  }
0xf7: {  	v15 =	vld [tilespmem:s3+$0xC440]  }
.Ltmp3:
0xf8: {  	v7 =	vadd.f32 v10, v7;
	v10 =	vmul.f32 v9, v12;
	v9 =	vld [tilespmem:s3+$0x450];
	(pc) =	sbr.rel @p0 .LBB2_8-.Ltmp3, $4  }
0xf9: {  	v11 =	vld [tilespmem:s3+$0xC450]  }
0xfa: {  	v5 =	vadd.f32 v10, v5;
	v14 =	vmul.f32 v8, v14;
	v10 =	vld [tilespmem:s3+$0x460]  }
0xfb: {  	v12 =	vld [tilespmem:s3+$0xC460];
	s3 =	sshra.s32 s17, $0x2  }
0xfc: {  	s17 =	sadd.s32 $0x200, s17;
	v8 =	vld [tilespmem:s3+$0x470];
	v4 =	vadd.f32 v14, v4;
	v13 =	vmul.f32 v15, v13  }
0xfd: {  	v14 =	vld [tilespmem:s3+$0x400]  }
0xfe: {  	v15 =	vld [tilespmem:s3+$0xC400]  }
0xff: {  	v16 =	vld [tilespmem:s3+$0x410]  }
0x100: {  	v17 =	vld [tilespmem:s3+$0xC410]  }
0x101: {  	v18 =	vld [tilespmem:s3+$0x420]  }
0x102: {  	v19 =	vld [tilespmem:s3+$0xC420]  }
0x103: {  	v20 =	vld [tilespmem:s3+$0x430]  }
0x104: {  	v21 =	vld [tilespmem:s3+$0xC430]  }
0x105: {  	v50 =	vld [tilespmem:s3+$0x440];
	v14 =	vmul.f32 v15, v14;
	v49 =	vmul.f32 v17, v16  }
0x106: {  	v51 =	vld [tilespmem:s3+$0xC440]  }
0x107: {  	v53 =	vld [tilespmem:s3+$0x450];
	v52 =	vmul.f32 v19, v18;
	v6 =	vadd.f32 v14, v6;
	v7 =	vadd.f32 v49, v7  }
0x108: {  	v54 =	vld [tilespmem:s3+$0xC450]  }
0x109: {  	v56 =	vld [tilespmem:s3+$0x460];
	v55 =	vmul.f32 v21, v20;
	v5 =	vadd.f32 v52, v5;
	v6 =	vadd.f32 v7, v6  }
0x10a: {  	v57 =	vld [tilespmem:s3+$0xC460];
	v3 =	vadd.f32 v13, v3;
	v9 =	vmul.f32 v11, v9  }
0x10b: {  	v58 =	vmul.f32 v51, v50;
	v4 =	vadd.f32 v55, v4;
	v5 =	vadd.f32 v5, v6  }
0x10c: {  	v59 =	vld [tilespmem:s3+$0xC470];
	v2 =	vadd.f32 v9, v2;
	v60 =	vmul.f32 v12, v10  }
0x10d: {  	v61 =	vmul.f32 v54, v53;
	v3 =	vadd.f32 v58, v3;
	v4 =	vadd.f32 v4, v5  }
0x10e: {  	v1 =	vadd.f32 v60, v1  }
0x10f: {  	v62 =	vmul.f32 v57, v56;
	v2 =	vadd.f32 v61, v2;
	v3 =	vadd.f32 v3, v4;
	_ =	sdelay $0x1  }
0x110: {  	v63 =	vmul.f32 v59, v8;
	v1 =	vadd.f32 v62, v1;
	v2 =	vadd.f32 v2, v3;
	_ =	sdelay $0x1  }
0x111: {  	v0 =	vadd.f32 v63, v0;
	v1 =	vadd.f32 v1, v2;
	_ =	sdelay $0x1  }
0x112: {  	v0 =	vadd.f32 v0, v1;
	_ =	sdelay $0x1  }
0x113: {  	[tilespmem:$0x18800] =	vst v0  }
0x114: {  	[hbm4b:s8+s4] =	stream.linear.scatter [tilespmem:s30], [sflag:$0x5], $0x80, $0x38;
	[tilespmem:$0x18880] =	vst v63  }
0x115: {  	_ =	swait.ge [sflag:s12], $0x80  }
0x116: {  	[sflag:s12] =	ssyncset.done $0x0  }
0x117: {  	[sflag:s12] =	ssyncadd.s32 $0xFFFFFF80  }
0x118: {  	_ =	swait.ge [sflag:s31], $0x80  }
0x119: {  	[sflag:s31] =	ssyncset.done $0x0  }
0x11a: {  	[sflag:s31] =	ssyncadd.s32 $0xFFFFFF80  }
0x11b: {  	_ =	swait.ge [sflag:s31], $0x80  }
0x11c: {  	[sflag:s31] =	ssyncset.done $0x0  }
0x11d: {  	[sflag:s31] =	ssyncadd.s32 $0xFFFFFF80  }
0x11e: {  	_ =	swait.ge [sflag:s31], $0x80  }
0x11f: {  	[sflag:s31] =	ssyncset.done $0x0  }
0x120: {  	[sflag:s31] =	ssyncadd.s32 $0xFFFFFF80  }
0x121: {  	_ =	swait.ge [sflag:s31], $0x80  }
0x122: {  	[sflag:s31] =	ssyncset.done $0x0  }
0x123: {  	[sflag:s31] =	ssyncadd.s32 $0xFFFFFF80  }
0x124: {  	_ =	swait.ge [sflag:s31], $0x80  }
0x125: {  	[sflag:s31] =	ssyncset.done $0x0  }
0x126: {  	[sflag:s31] =	ssyncadd.s32 $0xFFFFFF80  }
0x127: {  	_ =	swait.ge [sflag:s31], $0x80  }
0x128: {  	[sflag:s31] =	ssyncset.done $0x0  }
0x129: {  	[sflag:s31] =	ssyncadd.s32 $0xFFFFFF80  }
0x12a: {  	_ =	swait.ge [sflag:s31], $0x80  }
0x12b: {  	[sflag:s31] =	ssyncset.done $0x0  }
0x12c: {  	[sflag:s31] =	ssyncadd.s32 $0xFFFFFF80  }
0x12d: {  	_ =	swait.ge [sflag:s31], $0x80  }
0x12e: {  	[sflag:s31] =	ssyncset.done $0x0  }
0x12f: {  	[sflag:s31] =	ssyncadd.s32 $0xFFFFFF80  }
0x130: {  	[hbm4b:s9+s4] =	stream.linear.scatter [tilespmem:s28], [sflag:$0x5], $0x200, $0x38;
	[tilespmem:$0x18880] =	vst v63  }
0x131: {  	s0 =	sadd.s32 $0x1, s0;
	_ =	swait.ge [sflag:s12], $0x200  }
0x132: {  	p0 =	sne.s32 s0, s11;
	[sflag:s12] =	ssyncset.done $0x0  }
.Ltmp4:
0x133: {  	[sflag:s12] =	ssyncadd.s32 $0xFFFFFE00;
	(pc) =	sbr.rel @p0 .LBB2_1-.Ltmp4, $4  }
0x134: {  	[hbm4b:s10+s4] =	stream.linear.scatter [tilespmem:s29], [sflag:$0x5], $0x200, $0x38;
	[tilespmem:$0x18880] =	vst v63  }
0x135: {  	_ =	swait.ge [sflag:s12], $0x200  }
0x136: {  	[sflag:s12] =	ssyncset.done $0x0  }
0x137: {  	[sflag:s12] =	ssyncadd.s32 $0xFFFFFE00  }
0x138: {  	_ =	sfence.sel $0x180000  }
0x139: {  	[bflag:$0x0] =	sbarrier.arrive $0xFFFF  }
0x13a: {  	_ =	strace $0x90000047  }
0x13b: {  	s0 =	stileid.u32;
	[bflag:$0x2] =	sbarrier.arrive $0xFFFF  }
0x13c: {  	p0 =	sne.s32 s0, $0x0;
	s0 =	rddreg [dreg:$0x5]  }
0x13d: {  	s0 =	sadd.s32 @!p0 $0x100000, s0  }
0x13e: {  	[sflag:s0] =	ssyncadd.tile.s32 @!p0 $0x1;
	_ =	shalt  }
.Lfunc_end2:
_tile_overlayer_lowered:
.L_overlay_start_2:
0x13f: {  	(tag) =	ssettag $0x2  }
0x140: {  	s0 =	rddreg [dreg:$0x0];
	s2 =	stileid.u32  }
0x141: {  	s1 =	rddreg [dreg:$0x1];
	p0 =	sne.s32 s2, $0x0  }
0x142: {  	s3 =	rddreg [dreg:$0x2];
	[bflag:$0x3] =	sbarrier.arrive $0xFFFF;
	s2 =	simm.s32 @!p0 $0x1C05  }
0x143: {  	[timem:s3], [sflag:s2] =	dma.local @!p0 [hbm:s0], s1  }
0x144: {  	s0 =	simm.s32 @!p0 $0x5  }
0x145: {  	_ =	swait.ge @!p0 [sflag:s0], s1  }
0x146: {  	s1 =	ssub.s32 @!p0 $0x0, s1;
	[sflag:s0] =	ssyncset.done @!p0 $0x0  }
0x147: {  	[sflag:s0] =	ssyncadd.s32 @!p0 s1  }
0x148: {  	[bflag:$0x3] =	sbarrier.arrive $0xFFFF  }
0x149: {  	_ =	shalt  }

</sc_bundles>
